<compile_context>
chip_gen: v7x
topology: tpu7x:2x2x1
jax: 0.10.2.dev20260603
libtpu: 0.0.44.dev20260713+nightly
codegen_flags: <defaults>
</compile_context>

<pallas_src>
import functools

import jax
import jax.numpy as jnp
from jax import lax
from jax.experimental import pallas as pl
from jax.experimental.pallas import tpu as pltpu
from jax.experimental.pallas import tpu_sc as plsc

S = 12
SS = S * S
C = 96
H = 512
W = 512
NW = 32
RPW = 32
RPAD = NW * RPW
R = 1000
NCHUNK = SS // 16
SP = 145


def _splat(vec, lane):
    idx = jnp.full((16, 1), lane, jnp.int32)
    dnums = lax.GatherDimensionNumbers(
        offset_dims=(), collapsed_slice_dims=(0,), start_index_map=(0,))
    return lax.gather(vec, idx, dnums, (1,),
                      mode=lax.GatherScatterMode.PROMISE_IN_BOUNDS)


def _sc_body(xt_hbm, rois_hbm, out_hbm, roisv, idx0, idx1, wb0, wb1,
             gb0, gb1, obuf, sem0, sem1):
    wid = lax.axis_index("s") * 2 + lax.axis_index("c")
    rbase = wid * RPW
    pltpu.sync_copy(rois_hbm.at[pl.ds(rbase, RPW)], roisv)

    lanes = lax.iota(jnp.int32, 16)
    chan_idx = [lanes + cc * 16 for cc in range(C // 16)]

    def phase1(i, idxv, wbuf):
        row = roisv[jnp.minimum(i, RPW - 1), :]
        x1v = _splat(row, 1)
        y1v = _splat(row, 2)
        x2v = _splat(row, 3)
        y2v = _splat(row, 4)
        bwv = (x2v - x1v) / float(S)
        bhv = (y2v - y1v) / float(S)

        def chunk_body(j, carry2):
            s_i = lanes + j * 16
            sy = lax.div(s_i, S)
            sx = s_i - sy * S
            Yv = y1v + (sy.astype(jnp.float32) + 0.5) * bhv
            Xv = x1v + (sx.astype(jnp.float32) + 0.5) * bwv
            y0i = Yv.astype(jnp.int32)
            x0i = Xv.astype(jnp.int32)
            ly = Yv - y0i.astype(jnp.float32)
            lx = Xv - x0i.astype(jnp.float32)
            hy = 1.0 - ly
            hx = 1.0 - lx
            y0c = jnp.minimum(jnp.maximum(y0i, 0), H - 1)
            x0c = jnp.minimum(jnp.maximum(x0i, 0), W - 1)
            y1c = jnp.minimum(y0c + 1, H - 1)
            x1c = jnp.minimum(x0c + 1, W - 1)
            b = j * 64
            idxv[pl.ds(b, 16)] = y0c * W + x0c
            idxv[pl.ds(b + 16, 16)] = y0c * W + x1c
            idxv[pl.ds(b + 32, 16)] = y1c * W + x0c
            idxv[pl.ds(b + 48, 16)] = y1c * W + x1c
            wbuf[0, pl.ds(j * 16, 16)] = hy * hx
            wbuf[1, pl.ds(j * 16, 16)] = hy * lx
            wbuf[2, pl.ds(j * 16, 16)] = ly * hx
            wbuf[3, pl.ds(j * 16, 16)] = ly * lx
            return carry2

        lax.fori_loop(0, NCHUNK, chunk_body, 0)

    def blend_out(i, wbuf, gbuf):

        def blend_body(jc, carry2):
            w00c = wbuf[0, pl.ds(jc * 16, 16)]
            w01c = wbuf[1, pl.ds(jc * 16, 16)]
            w10c = wbuf[2, pl.ds(jc * 16, 16)]
            w11c = wbuf[3, pl.ds(jc * 16, 16)]
            jc64 = jc * 64
            jc16 = jc * 16

            def samp_body(k, carry3):
                w00s = _splat(w00c, k)
                w01s = _splat(w01c, k)
                w10s = _splat(w10c, k)
                w11s = _splat(w11c, k)
                r0 = jc64 + k
                sv = jnp.broadcast_to(jc16 + k, (16,))
                for cc in range(C // 16):
                    v00 = gbuf[r0, pl.ds(cc * 16, 16)]
                    v01 = gbuf[r0 + 16, pl.ds(cc * 16, 16)]
                    v10 = gbuf[r0 + 32, pl.ds(cc * 16, 16)]
                    v11 = gbuf[r0 + 48, pl.ds(cc * 16, 16)]
                    acc = v00 * w00s + v01 * w01s + v10 * w10s + v11 * w11s
                    plsc.store_scatter(obuf, [chan_idx[cc], sv], acc)
                return carry3

            lax.fori_loop(0, 16, samp_body, 0)
            return carry2

        lax.fori_loop(0, NCHUNK, blend_body, 0)

        ridx = rbase + i

        @pl.when(ridx < R)
        def _():
            pltpu.sync_copy(obuf.at[:, pl.ds(0, SS)], out_hbm.at[ridx])

    phase1(0, idx0, wb0)
    pltpu.async_copy(xt_hbm.at[idx0], gb0, sem0)

    def pair_body(p, carry):
        a = 2 * p
        phase1(a + 1, idx1, wb1)
        pltpu.async_copy(xt_hbm.at[idx1], gb1, sem1)
        pltpu.make_async_copy(xt_hbm.at[idx0], gb0, sem0).wait()
        blend_out(a, wb0, gb0)
        phase1(a + 2, idx0, wb0)

        @pl.when(p < RPW // 2 - 1)
        def _():
            pltpu.async_copy(xt_hbm.at[idx0], gb0, sem0)

        pltpu.make_async_copy(xt_hbm.at[idx1], gb1, sem1).wait()
        blend_out(a + 1, wb1, gb1)
        return carry

    lax.fori_loop(0, RPW // 2, pair_body, 0)


TRB = 8


def _tr_body(x_ref, o_ref):
    o_ref[...] = x_ref[0].transpose(1, 2, 0).reshape(TRB * W, C)


@jax.jit
def _roialign_sc(x, rois_p):
    xt = pl.pallas_call(
        _tr_body,
        grid=(H // TRB,),
        in_specs=[pl.BlockSpec((1, C, TRB, W), lambda i: (0, 0, i, 0))],
        out_specs=pl.BlockSpec((TRB * W, C), lambda i: (i, 0)),
        out_shape=jax.ShapeDtypeStruct((H * W, C), jnp.float32),
    )(x)

    mesh = plsc.VectorSubcoreMesh(core_axis_name="c", subcore_axis_name="s")
    kfn = functools.partial(
        pl.kernel,
        mesh=mesh,
        out_type=jax.ShapeDtypeStruct((R, C, SS), jnp.float32),
        scratch_types=[
            pltpu.VMEM((RPW, 16), jnp.float32),
            pltpu.VMEM((4 * SS,), jnp.int32),
            pltpu.VMEM((4 * SS,), jnp.int32),
            pltpu.VMEM((4, SS), jnp.float32),
            pltpu.VMEM((4, SS), jnp.float32),
            pltpu.VMEM((4 * SS, C), jnp.float32),
            pltpu.VMEM((4 * SS, C), jnp.float32),
            pltpu.VMEM((C, SP), jnp.float32),
            pltpu.SemaphoreType.DMA,
            pltpu.SemaphoreType.DMA,
        ],
        compiler_params=pltpu.CompilerParams(
            needs_layout_passes=False, use_tc_tiling_on_sc=False),
    )(_sc_body)
    return kfn(xt, rois_p)


def kernel(x, rois):
    rois_p = jnp.pad(rois, ((0, RPAD - rois.shape[0]), (0, 11)))
    out = _roialign_sc(x, rois_p)
    return out.reshape(R, C, S, S)

# --- scband reference (transcript-rebuilt; emitter-appended) ---
"""Pipeline reference for scband-roialign-42502996361807 (READ-ONLY COPY).

The authoritative reference and input builder live on the scoring server;
editing this copy changes nothing except your own understanding.
"""

import jax, jax.numpy as jnp
import numpy as np

OUTPUT_SIZE = 12
SPATIAL_SCALE = 1.0


def setup_inputs(seed: int = 0) -> dict:
    key = jax.random.key(seed)
    k1, k2, k3, k4, k5 = jax.random.split(key, 5)
    N, C, H, W = 1, 96, 512, 512
    R = 1000
    x = jax.random.normal(k1, (N, C, H, W), dtype=jnp.float32)
    # Build valid ROIs: (batch_idx, x1, y1, x2, y2) in pixel coords.
    cx = jax.random.uniform(k2, (R,), minval=0.0, maxval=float(W - 1))
    cy = jax.random.uniform(k3, (R,), minval=0.0, maxval=float(H - 1))
    bw = jax.random.uniform(k4, (R,), minval=16.0, maxval=128.0)
    bh = jax.random.uniform(k5, (R,), minval=16.0, maxval=128.0)
    x1 = jnp.clip(cx - bw / 2.0, 0.0, float(W - 1))
    x2 = jnp.clip(cx + bw / 2.0, 0.0, float(W - 1))
    y1 = jnp.clip(cy - bh / 2.0, 0.0, float(H - 1))
    y2 = jnp.clip(cy + bh / 2.0, 0.0, float(H - 1))
    batch_idx = jnp.zeros((R,), dtype=jnp.float32)
    rois = jnp.stack([batch_idx, x1, y1, x2, y2], axis=1).astype(jnp.float32)
    return {"x": x, "rois": rois}


def _roi_align(x, rois):
    N, C, H, W = x.shape
    S = OUTPUT_SIZE
    r = rois / SPATIAL_SCALE
    b = r[:, 0].astype(jnp.int32)
    x1, y1, x2, y2 = r[:, 1], r[:, 2], r[:, 3], r[:, 4]
    bin_w = (x2 - x1) / S
    bin_h = (y2 - y1) / S
    grid = jnp.arange(S, dtype=jnp.float32) + 0.5
    ys = y1[:, None] + grid[None, :] * bin_h[:, None]  # [R, S]
    xs = x1[:, None] + grid[None, :] * bin_w[:, None]  # [R, S]
    Y = jnp.broadcast_to(ys[:, :, None], (ys.shape[0], S, S))  # [R, S, S]
    X = jnp.broadcast_to(xs[:, None, :], (xs.shape[0], S, S))  # [R, S, S]
    y0f = jnp.floor(Y)
    x0f = jnp.floor(X)
    ly = Y - y0f
    lx = X - x0f
    hy = 1.0 - ly
    hx = 1.0 - lx
    y0 = jnp.clip(y0f.astype(jnp.int32), 0, H - 1)
    x0 = jnp.clip(x0f.astype(jnp.int32), 0, W - 1)
    y1i = jnp.clip(y0 + 1, 0, H - 1)
    x1i = jnp.clip(x0 + 1, 0, W - 1)
    bb = b[:, None, None]
    # Gather the 4 bilinear corners: each is [R, S, S, C]
    v00 = x[bb, :, y0, x0]
    v01 = x[bb, :, y0, x1i]
    v10 = x[bb, :, y1i, x0]
    v11 = x[bb, :, y1i, x1i]
    w00 = (hy * hx)[..., None]
    w01 = (hy * lx)[..., None]
    w10 = (ly * hx)[..., None]
    w11 = (ly * lx)[..., None]
    out = v00 * w00 + v01 * w01 + v10 * w10 + v11 * w11  # [R, S, S, C]
    return jnp.transpose(out, (0, 3, 1, 2))  # [R, C, S, S]


def reference(x, rois):
    return _roi_align(x, rois)

if __name__ == "__main__":
    import jax
    _d = setup_inputs()
    print(jax.jit(kernel)(*tuple(_d.values())))

</pallas_src>

<mosaic_0001>
#map = affine_map<(d0, d1) -> (0, 0)>
#map1 = affine_map<(d0, d1) -> (0, 0, 0)>
module attributes {stable_mosaic.version = 14 : i64} {
  func.func @_sc_body(%arg0: i32, %arg1: i32, %arg2: memref<262144x96xf32, #tpu.memory_space<hbm>>, %arg3: memref<1024x16xf32, #tpu.memory_space<hbm>>, %arg4: memref<1000x96x144xf32, #tpu.memory_space<hbm>>, %arg5: memref<32x16xf32, #tpu.memory_space<vmem>>, %arg6: memref<576xi32, #tpu.memory_space<vmem>>, %arg7: memref<576xi32, #tpu.memory_space<vmem>>, %arg8: memref<4x144xf32, #tpu.memory_space<vmem>>, %arg9: memref<4x144xf32, #tpu.memory_space<vmem>>, %arg10: memref<576x96xf32, #tpu.memory_space<vmem>>, %arg11: memref<576x96xf32, #tpu.memory_space<vmem>>, %arg12: memref<96x145xf32, #tpu.memory_space<vmem>>, %arg13: memref<!tpu.dma_semaphore, #tpu.memory_space<semaphore_mem>>, %arg14: memref<!tpu.dma_semaphore, #tpu.memory_space<semaphore_mem>>) attributes {dimension_semantics = [#tpu.dimension_semantics<core_parallel>, #tpu.dimension_semantics<subcore_parallel>], iteration_bounds = array<i64: 2, 16>, scalar_prefetch = 0 : i64, scratch_operands = 10 : i64, tpu.core_type = #tpu.core_type<sc_vector_subcore>, window_params = [{transform_indices = #map}, {transform_indices = #map}, {transform_indices = #map1}]} {
    %mul3A = arith.constant 2 : i32
    %mul3A_0 = arith.muli %arg1, %mul3A : i32
    %add3A = arith.addi %mul3A_0, %arg0 : i32
    %mul3A_1 = arith.constant 32 : i32
    %mul3A_2 = arith.muli %add3A, %mul3A_1 : i32
    "tpu.region"() ({
      %run_scoped3A = tpu.sem_alloc : memref<!tpu.dma_semaphore, #tpu.memory_space<semaphore_mem>>
      %dma_start3A_58 = arith.constant 0 : i32
      %dma_start3A_59 = tpu.memref_slice %arg3[%mul3A_2, %dma_start3A_58] : memref<1024x16xf32, #tpu.memory_space<hbm>> -> memref<32x16xf32, #tpu.memory_space<hbm>>
      %dma_start3A_60 = arith.constant 0 : i32
      %dma_start3A_61 = tpu.memref_slice %arg3[%mul3A_2, %dma_start3A_60] : memref<1024x16xf32, #tpu.memory_space<hbm>> -> memref<32x16xf32, #tpu.memory_space<hbm>>
      tpu.enqueue_dma source(%dma_start3A_61 : memref<32x16xf32, #tpu.memory_space<hbm>>) target(%arg5 : memref<32x16xf32, #tpu.memory_space<vmem>>) target_semaphore(%run_scoped3A : memref<!tpu.dma_semaphore, #tpu.memory_space<semaphore_mem>>)
      %dma_wait3A = arith.constant 0 : i32
      %dma_wait3A_62 = tpu.memref_slice %arg3[%mul3A_2, %dma_wait3A] : memref<1024x16xf32, #tpu.memory_space<hbm>> -> memref<32x16xf32, #tpu.memory_space<hbm>>
      %dma_wait3A_63 = arith.constant 0 : i32
      %dma_wait3A_64 = tpu.memref_slice %arg3[%mul3A_2, %dma_wait3A_63] : memref<1024x16xf32, #tpu.memory_space<hbm>> -> memref<32x16xf32, #tpu.memory_space<hbm>>
      tpu.wait_dma2 semaphore(%run_scoped3A : memref<!tpu.dma_semaphore, #tpu.memory_space<semaphore_mem>>) src(%dma_wait3A_64 : memref<32x16xf32, #tpu.memory_space<hbm>>) dst(%arg5 : memref<32x16xf32, #tpu.memory_space<vmem>>)
      tpu.yield
    }) : () -> ()
    %iota3A = tpu.iota {dimensions = array<i32: 0>} : vector<16xi32>
    %add3A_3 = arith.constant 0 : i32
    %add3A_4 = vector.broadcast %add3A_3 : i32 to vector<16xi32>
    %add3A_5 = arith.addi %iota3A, %add3A_4 : vector<16xi32>
    %add3A_6 = arith.constant 16 : i32
    %add3A_7 = vector.broadcast %add3A_6 : i32 to vector<16xi32>
    %add3A_8 = arith.addi %iota3A, %add3A_7 : vector<16xi32>
    %add3A_9 = arith.constant 32 : i32
    %add3A_10 = vector.broadcast %add3A_9 : i32 to vector<16xi32>
    %add3A_11 = arith.addi %iota3A, %add3A_10 : vector<16xi32>
    %add3A_12 = arith.constant 48 : i32
    %add3A_13 = vector.broadcast %add3A_12 : i32 to vector<16xi32>
    %add3A_14 = arith.addi %iota3A, %add3A_13 : vector<16xi32>
    %add3A_15 = arith.constant 64 : i32
    %add3A_16 = vector.broadcast %add3A_15 : i32 to vector<16xi32>
    %add3A_17 = arith.addi %iota3A, %add3A_16 : vector<16xi32>
    %add3A_18 = arith.constant 80 : i32
    %add3A_19 = vector.broadcast %add3A_18 : i32 to vector<16xi32>
    %add3A_20 = arith.addi %iota3A, %add3A_19 : vector<16xi32>
    %min3A = arith.constant 0 : i32
    %min3A_21 = arith.constant 31 : i32
    %min3A_22 = arith.minsi %min3A, %min3A_21 : i32
    %get3A = arith.index_cast %min3A_22 : i32 to index
    %get3A_23 = arith.constant 0 : index
    %get3A_24 = tpu.vector_load %arg5[%get3A, %get3A_23] {strides = array<i32>} : memref<32x16xf32, #tpu.memory_space<vmem>>, vector<16xf32>,
    %broadcast_in_dim3A = arith.constant 1 : i32
    %broadcast_in_dim3A_25 = vector.broadcast %broadcast_in_dim3A : i32 to vector<16x1xi32>
    %gather3A = vector.shape_cast %broadcast_in_dim3A_25 : vector<16x1xi32> to vector<16xi32>
    %gather3A_26 = tpu.dynamic_gather %get3A_24[%gather3A] in [0] : vector<16xf32>, vector<16xi32> -> vector<16xf32>
    %broadcast_in_dim3A_27 = arith.constant 2 : i32
    %broadcast_in_dim3A_28 = vector.broadcast %broadcast_in_dim3A_27 : i32 to vector<16x1xi32>
    %gather3A_29 = vector.shape_cast %broadcast_in_dim3A_28 : vector<16x1xi32> to vector<16xi32>
    %gather3A_30 = tpu.dynamic_gather %get3A_24[%gather3A_29] in [0] : vector<16xf32>, vector<16xi32> -> vector<16xf32>
    %broadcast_in_dim3A_31 = arith.constant 3 : i32
    %broadcast_in_dim3A_32 = vector.broadcast %broadcast_in_dim3A_31 : i32 to vector<16x1xi32>
    %gather3A_33 = vector.shape_cast %broadcast_in_dim3A_32 : vector<16x1xi32> to vector<16xi32>
    %gather3A_34 = tpu.dynamic_gather %get3A_24[%gather3A_33] in [0] : vector<16xf32>, vector<16xi32> -> vector<16xf32>
    %broadcast_in_dim3A_35 = arith.constant 4 : i32
    %broadcast_in_dim3A_36 = vector.broadcast %broadcast_in_dim3A_35 : i32 to vector<16x1xi32>
    %gather3A_37 = vector.shape_cast %broadcast_in_dim3A_36 : vector<16x1xi32> to vector<16xi32>
    %gather3A_38 = tpu.dynamic_gather %get3A_24[%gather3A_37] in [0] : vector<16xf32>, vector<16xi32> -> vector<16xf32>
    %sub3A = arith.subf %gather3A_34, %gather3A_26 : vector<16xf32>
    %div3A = arith.constant 1.200000e+01 : f32
    %div3A_39 = vector.broadcast %div3A : f32 to vector<16xf32>
    %div3A_40 = arith.divf %sub3A, %div3A_39 : vector<16xf32>
    %sub3A_41 = arith.subf %gather3A_38, %gather3A_30 : vector<16xf32>
    %div3A_42 = arith.constant 1.200000e+01 : f32
    %div3A_43 = vector.broadcast %div3A_42 : f32 to vector<16xf32>
    %div3A_44 = arith.divf %sub3A_41, %div3A_43 : vector<16xf32>
    %scan3A = arith.constant 0 : i32
    %scan3A_45 = arith.constant 0 : i32
    %scan3A_46 = arith.constant 9 : i32
    %scan3A_47 = arith.addi %scan3A_45, %scan3A_46 : i32
    %scan3A_48 = arith.constant 1 : i32
    scf.for %scan3A_58 = %scan3A_45 to %scan3A_47 step %scan3A_48  : i32 {
      %mul3A_59 = arith.constant 16 : i32
      %mul3A_60 = arith.muli %scan3A_58, %mul3A_59 : i32
      %add3A_61 = vector.broadcast %mul3A_60 : i32 to vector<16xi32>
      %add3A_62 = arith.addi %iota3A, %add3A_61 : vector<16xi32>
      %div3A_63 = arith.constant 12 : i32
      %div3A_64 = vector.broadcast %div3A_63 : i32 to vector<16xi32>
      %div3A_65 = arith.divsi %add3A_62, %div3A_64 : vector<16xi32>
      %mul3A_66 = arith.constant 12 : i32
      %mul3A_67 = vector.broadcast %mul3A_66 : i32 to vector<16xi32>
      %mul3A_68 = arith.muli %div3A_65, %mul3A_67 : vector<16xi32>
      %sub3A_69 = arith.subi %add3A_62, %mul3A_68 : vector<16xi32>
      %convert_element_type3A = arith.sitofp %div3A_65 : vector<16xi32> to vector<16xf32>
      %add3A_70 = arith.constant 5.000000e-01 : f32
      %add3A_71 = vector.broadcast %add3A_70 : f32 to vector<16xf32>
      %add3A_72 = arith.addf %convert_element_type3A, %add3A_71 : vector<16xf32>
      %mul3A_73 = arith.mulf %add3A_72, %div3A_44 : vector<16xf32>
      %add3A_74 = arith.addf %gather3A_30, %mul3A_73 : vector<16xf32>
      %convert_element_type3A_75 = arith.sitofp %sub3A_69 : vector<16xi32> to vector<16xf32>
      %add3A_76 = arith.constant 5.000000e-01 : f32
      %add3A_77 = vector.broadcast %add3A_76 : f32 to vector<16xf32>
      %add3A_78 = arith.addf %convert_element_type3A_75, %add3A_77 : vector<16xf32>
      %mul3A_79 = arith.mulf %add3A_78, %div3A_40 : vector<16xf32>
      %add3A_80 = arith.addf %gather3A_26, %mul3A_79 : vector<16xf32>
      %convert_element_type3A_81 = arith.fptosi %add3A_74 : vector<16xf32> to vector<16xi32>
      %convert_element_type3A_82 = arith.fptosi %add3A_80 : vector<16xf32> to vector<16xi32>
      %convert_element_type3A_83 = arith.sitofp %convert_element_type3A_81 : vector<16xi32> to vector<16xf32>
      %sub3A_84 = arith.subf %add3A_74, %convert_element_type3A_83 : vector<16xf32>
      %convert_element_type3A_85 = arith.sitofp %convert_element_type3A_82 : vector<16xi32> to vector<16xf32>
      %sub3A_86 = arith.subf %add3A_80, %convert_element_type3A_85 : vector<16xf32>
      %sub3A_87 = arith.constant 1.000000e+00 : f32
      %sub3A_88 = vector.broadcast %sub3A_87 : f32 to vector<16xf32>
      %sub3A_89 = arith.subf %sub3A_88, %sub3A_84 : vector<16xf32>
      %sub3A_90 = arith.constant 1.000000e+00 : f32
      %sub3A_91 = vector.broadcast %sub3A_90 : f32 to vector<16xf32>
      %sub3A_92 = arith.subf %sub3A_91, %sub3A_86 : vector<16xf32>
      %max3A = arith.constant 0 : i32
      %max3A_93 = vector.broadcast %max3A : i32 to vector<16xi32>
      %max3A_94 = arith.maxsi %convert_element_type3A_81, %max3A_93 : vector<16xi32>
      %min3A_95 = arith.constant 511 : i32
      %min3A_96 = vector.broadcast %min3A_95 : i32 to vector<16xi32>
      %min3A_97 = arith.minsi %max3A_94, %min3A_96 : vector<16xi32>
      %max3A_98 = arith.constant 0 : i32
      %max3A_99 = vector.broadcast %max3A_98 : i32 to vector<16xi32>
      %max3A_100 = arith.maxsi %convert_element_type3A_82, %max3A_99 : vector<16xi32>
      %min3A_101 = arith.constant 511 : i32
      %min3A_102 = vector.broadcast %min3A_101 : i32 to vector<16xi32>
      %min3A_103 = arith.minsi %max3A_100, %min3A_102 : vector<16xi32>
      %add3A_104 = arith.constant 1 : i32
      %add3A_105 = vector.broadcast %add3A_104 : i32 to vector<16xi32>
      %add3A_106 = arith.addi %min3A_97, %add3A_105 : vector<16xi32>
      %min3A_107 = arith.constant 511 : i32
      %min3A_108 = vector.broadcast %min3A_107 : i32 to vector<16xi32>
      %min3A_109 = arith.minsi %add3A_106, %min3A_108 : vector<16xi32>
      %add3A_110 = arith.constant 1 : i32
      %add3A_111 = vector.broadcast %add3A_110 : i32 to vector<16xi32>
      %add3A_112 = arith.addi %min3A_103, %add3A_111 : vector<16xi32>
      %min3A_113 = arith.constant 511 : i32
      %min3A_114 = vector.broadcast %min3A_113 : i32 to vector<16xi32>
      %min3A_115 = arith.minsi %add3A_112, %min3A_114 : vector<16xi32>
      %mul3A_116 = arith.constant 64 : i32
      %mul3A_117 = arith.muli %scan3A_58, %mul3A_116 : i32
      %mul3A_118 = arith.constant 512 : i32
      %mul3A_119 = vector.broadcast %mul3A_118 : i32 to vector<16xi32>
      %mul3A_120 = arith.muli %min3A_97, %mul3A_119 : vector<16xi32>
      %add3A_121 = arith.addi %mul3A_120, %min3A_103 : vector<16xi32>
      %swap3A = arith.index_cast %mul3A_117 : i32 to index
      %swap3A_122 = tpu.vector_load %arg6[%swap3A] {strides = array<i32>} : memref<576xi32, #tpu.memory_space<vmem>>, vector<16xi32>,
      tpu.vector_store %arg6[%swap3A], %add3A_121 {strides = array<i32>} : memref<576xi32, #tpu.memory_space<vmem>>, vector<16xi32>,
      %mul3A_123 = arith.constant 512 : i32
      %mul3A_124 = vector.broadcast %mul3A_123 : i32 to vector<16xi32>
      %mul3A_125 = arith.muli %min3A_97, %mul3A_124 : vector<16xi32>
      %add3A_126 = arith.addi %mul3A_125, %min3A_115 : vector<16xi32>
      %add3A_127 = arith.constant 16 : i32
      %add3A_128 = arith.addi %mul3A_117, %add3A_127 : i32
      %swap3A_129 = arith.index_cast %add3A_128 : i32 to index
      %swap3A_130 = tpu.vector_load %arg6[%swap3A_129] {strides = array<i32>} : memref<576xi32, #tpu.memory_space<vmem>>, vector<16xi32>,
      tpu.vector_store %arg6[%swap3A_129], %add3A_126 {strides = array<i32>} : memref<576xi32, #tpu.memory_space<vmem>>, vector<16xi32>,
      %mul3A_131 = arith.constant 512 : i32
      %mul3A_132 = vector.broadcast %mul3A_131 : i32 to vector<16xi32>
      %mul3A_133 = arith.muli %min3A_109, %mul3A_132 : vector<16xi32>
      %add3A_134 = arith.addi %mul3A_133, %min3A_103 : vector<16xi32>
      %add3A_135 = arith.constant 32 : i32
      %add3A_136 = arith.addi %mul3A_117, %add3A_135 : i32
      %swap3A_137 = arith.index_cast %add3A_136 : i32 to index
      %swap3A_138 = tpu.vector_load %arg6[%swap3A_137] {strides = array<i32>} : memref<576xi32, #tpu.memory_space<vmem>>, vector<16xi32>,
      tpu.vector_store %arg6[%swap3A_137], %add3A_134 {strides = array<i32>} : memref<576xi32, #tpu.memory_space<vmem>>, vector<16xi32>,
      %mul3A_139 = arith.constant 512 : i32
      %mul3A_140 = vector.broadcast %mul3A_139 : i32 to vector<16xi32>
      %mul3A_141 = arith.muli %min3A_109, %mul3A_140 : vector<16xi32>
      %add3A_142 = arith.addi %mul3A_141, %min3A_115 : vector<16xi32>
      %add3A_143 = arith.constant 48 : i32
      %add3A_144 = arith.addi %mul3A_117, %add3A_143 : i32
      %swap3A_145 = arith.index_cast %add3A_144 : i32 to index
      %swap3A_146 = tpu.vector_load %arg6[%swap3A_145] {strides = array<i32>} : memref<576xi32, #tpu.memory_space<vmem>>, vector<16xi32>,
      tpu.vector_store %arg6[%swap3A_145], %add3A_142 {strides = array<i32>} : memref<576xi32, #tpu.memory_space<vmem>>, vector<16xi32>,
      %mul3A_147 = arith.mulf %sub3A_89, %sub3A_92 : vector<16xf32>
      %mul3A_148 = arith.constant 16 : i32
      %mul3A_149 = arith.muli %scan3A_58, %mul3A_148 : i32
      %swap3A_150 = arith.constant 0 : i32
      %swap3A_151 = arith.index_cast %swap3A_150 : i32 to index
      %swap3A_152 = arith.index_cast %mul3A_149 : i32 to index
      %swap3A_153 = tpu.vector_load %arg8[%swap3A_151, %swap3A_152] {strides = array<i32>} : memref<4x144xf32, #tpu.memory_space<vmem>>, vector<16xf32>,
      tpu.vector_store %arg8[%swap3A_151, %swap3A_152], %mul3A_147 {strides = array<i32>} : memref<4x144xf32, #tpu.memory_space<vmem>>, vector<16xf32>,
      %mul3A_154 = arith.mulf %sub3A_89, %sub3A_86 : vector<16xf32>
      %mul3A_155 = arith.constant 16 : i32
      %mul3A_156 = arith.muli %scan3A_58, %mul3A_155 : i32
      %swap3A_157 = arith.constant 1 : i32
      %swap3A_158 = arith.index_cast %swap3A_157 : i32 to index
      %swap3A_159 = arith.index_cast %mul3A_156 : i32 to index
      %swap3A_160 = tpu.vector_load %arg8[%swap3A_158, %swap3A_159] {strides = array<i32>} : memref<4x144xf32, #tpu.memory_space<vmem>>, vector<16xf32>,
      tpu.vector_store %arg8[%swap3A_158, %swap3A_159], %mul3A_154 {strides = array<i32>} : memref<4x144xf32, #tpu.memory_space<vmem>>, vector<16xf32>,
      %mul3A_161 = arith.mulf %sub3A_84, %sub3A_92 : vector<16xf32>
      %mul3A_162 = arith.constant 16 : i32
      %mul3A_163 = arith.muli %scan3A_58, %mul3A_162 : i32
      %swap3A_164 = arith.constant 2 : i32
      %swap3A_165 = arith.index_cast %swap3A_164 : i32 to index
      %swap3A_166 = arith.index_cast %mul3A_163 : i32 to index
      %swap3A_167 = tpu.vector_load %arg8[%swap3A_165, %swap3A_166] {strides = array<i32>} : memref<4x144xf32, #tpu.memory_space<vmem>>, vector<16xf32>,
      tpu.vector_store %arg8[%swap3A_165, %swap3A_166], %mul3A_161 {strides = array<i32>} : memref<4x144xf32, #tpu.memory_space<vmem>>, vector<16xf32>,
      %mul3A_168 = arith.mulf %sub3A_84, %sub3A_86 : vector<16xf32>
      %mul3A_169 = arith.constant 16 : i32
      %mul3A_170 = arith.muli %scan3A_58, %mul3A_169 : i32
      %swap3A_171 = arith.constant 3 : i32
      %swap3A_172 = arith.index_cast %swap3A_171 : i32 to index
      %swap3A_173 = arith.index_cast %mul3A_170 : i32 to index
      %swap3A_174 = tpu.vector_load %arg8[%swap3A_172, %swap3A_173] {strides = array<i32>} : memref<4x144xf32, #tpu.memory_space<vmem>>, vector<16xf32>,
      tpu.vector_store %arg8[%swap3A_172, %swap3A_173], %mul3A_168 {strides = array<i32>} : memref<4x144xf32, #tpu.memory_space<vmem>>, vector<16xf32>,
    }
    %scan3A_49 = arith.constant 9 : i32
    %dma_start3A = arith.constant 0 : i32
    %dma_start3A_50 = arith.constant 0 : i32
    %dma_start3A_51 = tpu.memref_slice %arg2[%dma_start3A, %dma_start3A_50] : memref<262144x96xf32, #tpu.memory_space<hbm>> -> memref<262144x96xf32, #tpu.memory_space<hbm>>
    tpu.enqueue_indirect_dma source(%dma_start3A_51 : memref<262144x96xf32, #tpu.memory_space<hbm>>) target(%arg10 : memref<576x96xf32, #tpu.memory_space<vmem>>) offsets(%arg6 : memref<576xi32, #tpu.memory_space<vmem>>) semaphore(%arg13 : memref<!tpu.dma_semaphore, #tpu.memory_space<semaphore_mem>>)
    %scan3A_52 = arith.constant 0 : i32
    %scan3A_53 = arith.constant 0 : i32
    %scan3A_54 = arith.constant 16 : i32
    %scan3A_55 = arith.addi %scan3A_53, %scan3A_54 : i32
    %scan3A_56 = arith.constant 1 : i32
    scf.for %scan3A_58 = %scan3A_53 to %scan3A_55 step %scan3A_56  : i32 {
      %mul3A_59 = arith.constant 2 : i32
      %mul3A_60 = arith.muli %mul3A_59, %scan3A_58 : i32
      %add3A_61 = arith.constant 1 : i32
      %add3A_62 = arith.addi %mul3A_60, %add3A_61 : i32
      %min3A_63 = arith.constant 31 : i32
      %min3A_64 = arith.minsi %add3A_62, %min3A_63 : i32
      %get3A_65 = arith.index_cast %min3A_64 : i32 to index
      %get3A_66 = arith.constant 0 : index
      %get3A_67 = tpu.vector_load %arg5[%get3A_65, %get3A_66] {strides = array<i32>} : memref<32x16xf32, #tpu.memory_space<vmem>>, vector<16xf32>,
      %broadcast_in_dim3A_68 = arith.constant 1 : i32
      %broadcast_in_dim3A_69 = vector.broadcast %broadcast_in_dim3A_68 : i32 to vector<16x1xi32>
      %gather3A_70 = vector.shape_cast %broadcast_in_dim3A_69 : vector<16x1xi32> to vector<16xi32>
      %gather3A_71 = tpu.dynamic_gather %get3A_67[%gather3A_70] in [0] : vector<16xf32>, vector<16xi32> -> vector<16xf32>
      %broadcast_in_dim3A_72 = arith.constant 2 : i32
      %broadcast_in_dim3A_73 = vector.broadcast %broadcast_in_dim3A_72 : i32 to vector<16x1xi32>
      %gather3A_74 = vector.shape_cast %broadcast_in_dim3A_73 : vector<16x1xi32> to vector<16xi32>
      %gather3A_75 = tpu.dynamic_gather %get3A_67[%gather3A_74] in [0] : vector<16xf32>, vector<16xi32> -> vector<16xf32>
      %broadcast_in_dim3A_76 = arith.constant 3 : i32
      %broadcast_in_dim3A_77 = vector.broadcast %broadcast_in_dim3A_76 : i32 to vector<16x1xi32>
      %gather3A_78 = vector.shape_cast %broadcast_in_dim3A_77 : vector<16x1xi32> to vector<16xi32>
      %gather3A_79 = tpu.dynamic_gather %get3A_67[%gather3A_78] in [0] : vector<16xf32>, vector<16xi32> -> vector<16xf32>
      %broadcast_in_dim3A_80 = arith.constant 4 : i32
      %broadcast_in_dim3A_81 = vector.broadcast %broadcast_in_dim3A_80 : i32 to vector<16x1xi32>
      %gather3A_82 = vector.shape_cast %broadcast_in_dim3A_81 : vector<16x1xi32> to vector<16xi32>
      %gather3A_83 = tpu.dynamic_gather %get3A_67[%gather3A_82] in [0] : vector<16xf32>, vector<16xi32> -> vector<16xf32>
      %sub3A_84 = arith.subf %gather3A_79, %gather3A_71 : vector<16xf32>
      %div3A_85 = arith.constant 1.200000e+01 : f32
      %div3A_86 = vector.broadcast %div3A_85 : f32 to vector<16xf32>
      %div3A_87 = arith.divf %sub3A_84, %div3A_86 : vector<16xf32>
      %sub3A_88 = arith.subf %gather3A_83, %gather3A_75 : vector<16xf32>
      %div3A_89 = arith.constant 1.200000e+01 : f32
      %div3A_90 = vector.broadcast %div3A_89 : f32 to vector<16xf32>
      %div3A_91 = arith.divf %sub3A_88, %div3A_90 : vector<16xf32>
      %scan3A_92 = arith.constant 0 : i32
      %scan3A_93 = arith.constant 0 : i32
      %scan3A_94 = arith.constant 9 : i32
      %scan3A_95 = arith.addi %scan3A_93, %scan3A_94 : i32
      %scan3A_96 = arith.constant 1 : i32
      scf.for %scan3A_171 = %scan3A_93 to %scan3A_95 step %scan3A_96  : i32 {
        %mul3A_172 = arith.constant 16 : i32
        %mul3A_173 = arith.muli %scan3A_171, %mul3A_172 : i32
        %add3A_174 = vector.broadcast %mul3A_173 : i32 to vector<16xi32>
        %add3A_175 = arith.addi %iota3A, %add3A_174 : vector<16xi32>
        %div3A_176 = arith.constant 12 : i32
        %div3A_177 = vector.broadcast %div3A_176 : i32 to vector<16xi32>
        %div3A_178 = arith.divsi %add3A_175, %div3A_177 : vector<16xi32>
        %mul3A_179 = arith.constant 12 : i32
        %mul3A_180 = vector.broadcast %mul3A_179 : i32 to vector<16xi32>
        %mul3A_181 = arith.muli %div3A_178, %mul3A_180 : vector<16xi32>
        %sub3A_182 = arith.subi %add3A_175, %mul3A_181 : vector<16xi32>
        %convert_element_type3A_183 = arith.sitofp %div3A_178 : vector<16xi32> to vector<16xf32>
        %add3A_184 = arith.constant 5.000000e-01 : f32
        %add3A_185 = vector.broadcast %add3A_184 : f32 to vector<16xf32>
        %add3A_186 = arith.addf %convert_element_type3A_183, %add3A_185 : vector<16xf32>
        %mul3A_187 = arith.mulf %add3A_186, %div3A_91 : vector<16xf32>
        %add3A_188 = arith.addf %gather3A_75, %mul3A_187 : vector<16xf32>
        %convert_element_type3A_189 = arith.sitofp %sub3A_182 : vector<16xi32> to vector<16xf32>
        %add3A_190 = arith.constant 5.000000e-01 : f32
        %add3A_191 = vector.broadcast %add3A_190 : f32 to vector<16xf32>
        %add3A_192 = arith.addf %convert_element_type3A_189, %add3A_191 : vector<16xf32>
        %mul3A_193 = arith.mulf %add3A_192, %div3A_87 : vector<16xf32>
        %add3A_194 = arith.addf %gather3A_71, %mul3A_193 : vector<16xf32>
        %convert_element_type3A_195 = arith.fptosi %add3A_188 : vector<16xf32> to vector<16xi32>
        %convert_element_type3A_196 = arith.fptosi %add3A_194 : vector<16xf32> to vector<16xi32>
        %convert_element_type3A_197 = arith.sitofp %convert_element_type3A_195 : vector<16xi32> to vector<16xf32>
        %sub3A_198 = arith.subf %add3A_188, %convert_element_type3A_197 : vector<16xf32>
        %convert_element_type3A_199 = arith.sitofp %convert_element_type3A_196 : vector<16xi32> to vector<16xf32>
        %sub3A_200 = arith.subf %add3A_194, %convert_element_type3A_199 : vector<16xf32>
        %sub3A_201 = arith.constant 1.000000e+00 : f32
        %sub3A_202 = vector.broadcast %sub3A_201 : f32 to vector<16xf32>
        %sub3A_203 = arith.subf %sub3A_202, %sub3A_198 : vector<16xf32>
        %sub3A_204 = arith.constant 1.000000e+00 : f32
        %sub3A_205 = vector.broadcast %sub3A_204 : f32 to vector<16xf32>
        %sub3A_206 = arith.subf %sub3A_205, %sub3A_200 : vector<16xf32>
        %max3A = arith.constant 0 : i32
        %max3A_207 = vector.broadcast %max3A : i32 to vector<16xi32>
        %max3A_208 = arith.maxsi %convert_element_type3A_195, %max3A_207 : vector<16xi32>
        %min3A_209 = arith.constant 511 : i32
        %min3A_210 = vector.broadcast %min3A_209 : i32 to vector<16xi32>
        %min3A_211 = arith.minsi %max3A_208, %min3A_210 : vector<16xi32>
        %max3A_212 = arith.constant 0 : i32
        %max3A_213 = vector.broadcast %max3A_212 : i32 to vector<16xi32>
        %max3A_214 = arith.maxsi %convert_element_type3A_196, %max3A_213 : vector<16xi32>
        %min3A_215 = arith.constant 511 : i32
        %min3A_216 = vector.broadcast %min3A_215 : i32 to vector<16xi32>
        %min3A_217 = arith.minsi %max3A_214, %min3A_216 : vector<16xi32>
        %add3A_218 = arith.constant 1 : i32
        %add3A_219 = vector.broadcast %add3A_218 : i32 to vector<16xi32>
        %add3A_220 = arith.addi %min3A_211, %add3A_219 : vector<16xi32>
        %min3A_221 = arith.constant 511 : i32
        %min3A_222 = vector.broadcast %min3A_221 : i32 to vector<16xi32>
        %min3A_223 = arith.minsi %add3A_220, %min3A_222 : vector<16xi32>
        %add3A_224 = arith.constant 1 : i32
        %add3A_225 = vector.broadcast %add3A_224 : i32 to vector<16xi32>
        %add3A_226 = arith.addi %min3A_217, %add3A_225 : vector<16xi32>
        %min3A_227 = arith.constant 511 : i32
        %min3A_228 = vector.broadcast %min3A_227 : i32 to vector<16xi32>
        %min3A_229 = arith.minsi %add3A_226, %min3A_228 : vector<16xi32>
        %mul3A_230 = arith.constant 64 : i32
        %mul3A_231 = arith.muli %scan3A_171, %mul3A_230 : i32
        %mul3A_232 = arith.constant 512 : i32
        %mul3A_233 = vector.broadcast %mul3A_232 : i32 to vector<16xi32>
        %mul3A_234 = arith.muli %min3A_211, %mul3A_233 : vector<16xi32>
        %add3A_235 = arith.addi %mul3A_234, %min3A_217 : vector<16xi32>
        %swap3A = arith.index_cast %mul3A_231 : i32 to index
        %swap3A_236 = tpu.vector_load %arg7[%swap3A] {strides = array<i32>} : memref<576xi32, #tpu.memory_space<vmem>>, vector<16xi32>,
        tpu.vector_store %arg7[%swap3A], %add3A_235 {strides = array<i32>} : memref<576xi32, #tpu.memory_space<vmem>>, vector<16xi32>,
        %mul3A_237 = arith.constant 512 : i32
        %mul3A_238 = vector.broadcast %mul3A_237 : i32 to vector<16xi32>
        %mul3A_239 = arith.muli %min3A_211, %mul3A_238 : vector<16xi32>
        %add3A_240 = arith.addi %mul3A_239, %min3A_229 : vector<16xi32>
        %add3A_241 = arith.constant 16 : i32
        %add3A_242 = arith.addi %mul3A_231, %add3A_241 : i32
        %swap3A_243 = arith.index_cast %add3A_242 : i32 to index
        %swap3A_244 = tpu.vector_load %arg7[%swap3A_243] {strides = array<i32>} : memref<576xi32, #tpu.memory_space<vmem>>, vector<16xi32>,
        tpu.vector_store %arg7[%swap3A_243], %add3A_240 {strides = array<i32>} : memref<576xi32, #tpu.memory_space<vmem>>, vector<16xi32>,
        %mul3A_245 = arith.constant 512 : i32
        %mul3A_246 = vector.broadcast %mul3A_245 : i32 to vector<16xi32>
        %mul3A_247 = arith.muli %min3A_223, %mul3A_246 : vector<16xi32>
        %add3A_248 = arith.addi %mul3A_247, %min3A_217 : vector<16xi32>
        %add3A_249 = arith.constant 32 : i32
        %add3A_250 = arith.addi %mul3A_231, %add3A_249 : i32
        %swap3A_251 = arith.index_cast %add3A_250 : i32 to index
        %swap3A_252 = tpu.vector_load %arg7[%swap3A_251] {strides = array<i32>} : memref<576xi32, #tpu.memory_space<vmem>>, vector<16xi32>,
        tpu.vector_store %arg7[%swap3A_251], %add3A_248 {strides = array<i32>} : memref<576xi32, #tpu.memory_space<vmem>>, vector<16xi32>,
        %mul3A_253 = arith.constant 512 : i32
        %mul3A_254 = vector.broadcast %mul3A_253 : i32 to vector<16xi32>
        %mul3A_255 = arith.muli %min3A_223, %mul3A_254 : vector<16xi32>
        %add3A_256 = arith.addi %mul3A_255, %min3A_229 : vector<16xi32>
        %add3A_257 = arith.constant 48 : i32
        %add3A_258 = arith.addi %mul3A_231, %add3A_257 : i32
        %swap3A_259 = arith.index_cast %add3A_258 : i32 to index
        %swap3A_260 = tpu.vector_load %arg7[%swap3A_259] {strides = array<i32>} : memref<576xi32, #tpu.memory_space<vmem>>, vector<16xi32>,
        tpu.vector_store %arg7[%swap3A_259], %add3A_256 {strides = array<i32>} : memref<576xi32, #tpu.memory_space<vmem>>, vector<16xi32>,
        %mul3A_261 = arith.mulf %sub3A_203, %sub3A_206 : vector<16xf32>
        %mul3A_262 = arith.constant 16 : i32
        %mul3A_263 = arith.muli %scan3A_171, %mul3A_262 : i32
        %swap3A_264 = arith.constant 0 : i32
        %swap3A_265 = arith.index_cast %swap3A_264 : i32 to index
        %swap3A_266 = arith.index_cast %mul3A_263 : i32 to index
        %swap3A_267 = tpu.vector_load %arg9[%swap3A_265, %swap3A_266] {strides = array<i32>} : memref<4x144xf32, #tpu.memory_space<vmem>>, vector<16xf32>,
        tpu.vector_store %arg9[%swap3A_265, %swap3A_266], %mul3A_261 {strides = array<i32>} : memref<4x144xf32, #tpu.memory_space<vmem>>, vector<16xf32>,
        %mul3A_268 = arith.mulf %sub3A_203, %sub3A_200 : vector<16xf32>
        %mul3A_269 = arith.constant 16 : i32
        %mul3A_270 = arith.muli %scan3A_171, %mul3A_269 : i32
        %swap3A_271 = arith.constant 1 : i32
        %swap3A_272 = arith.index_cast %swap3A_271 : i32 to index
        %swap3A_273 = arith.index_cast %mul3A_270 : i32 to index
        %swap3A_274 = tpu.vector_load %arg9[%swap3A_272, %swap3A_273] {strides = array<i32>} : memref<4x144xf32, #tpu.memory_space<vmem>>, vector<16xf32>,
        tpu.vector_store %arg9[%swap3A_272, %swap3A_273], %mul3A_268 {strides = array<i32>} : memref<4x144xf32, #tpu.memory_space<vmem>>, vector<16xf32>,
        %mul3A_275 = arith.mulf %sub3A_198, %sub3A_206 : vector<16xf32>
        %mul3A_276 = arith.constant 16 : i32
        %mul3A_277 = arith.muli %scan3A_171, %mul3A_276 : i32
        %swap3A_278 = arith.constant 2 : i32
        %swap3A_279 = arith.index_cast %swap3A_278 : i32 to index
        %swap3A_280 = arith.index_cast %mul3A_277 : i32 to index
        %swap3A_281 = tpu.vector_load %arg9[%swap3A_279, %swap3A_280] {strides = array<i32>} : memref<4x144xf32, #tpu.memory_space<vmem>>, vector<16xf32>,
        tpu.vector_store %arg9[%swap3A_279, %swap3A_280], %mul3A_275 {strides = array<i32>} : memref<4x144xf32, #tpu.memory_space<vmem>>, vector<16xf32>,
        %mul3A_282 = arith.mulf %sub3A_198, %sub3A_200 : vector<16xf32>
        %mul3A_283 = arith.constant 16 : i32
        %mul3A_284 = arith.muli %scan3A_171, %mul3A_283 : i32
        %swap3A_285 = arith.constant 3 : i32
        %swap3A_286 = arith.index_cast %swap3A_285 : i32 to index
        %swap3A_287 = arith.index_cast %mul3A_284 : i32 to index
        %swap3A_288 = tpu.vector_load %arg9[%swap3A_286, %swap3A_287] {strides = array<i32>} : memref<4x144xf32, #tpu.memory_space<vmem>>, vector<16xf32>,
        tpu.vector_store %arg9[%swap3A_286, %swap3A_287], %mul3A_282 {strides = array<i32>} : memref<4x144xf32, #tpu.memory_space<vmem>>, vector<16xf32>,
      }
      %scan3A_97 = arith.constant 9 : i32
      %dma_start3A_98 = arith.constant 0 : i32
      %dma_start3A_99 = arith.constant 0 : i32
      %dma_start3A_100 = tpu.memref_slice %arg2[%dma_start3A_98, %dma_start3A_99] : memref<262144x96xf32, #tpu.memory_space<hbm>> -> memref<262144x96xf32, #tpu.memory_space<hbm>>
      tpu.enqueue_indirect_dma source(%dma_start3A_100 : memref<262144x96xf32, #tpu.memory_space<hbm>>) target(%arg11 : memref<576x96xf32, #tpu.memory_space<vmem>>) offsets(%arg7 : memref<576xi32, #tpu.memory_space<vmem>>) semaphore(%arg14 : memref<!tpu.dma_semaphore, #tpu.memory_space<semaphore_mem>>)
      %dma_wait3A = arith.constant 0 : i32
      %dma_wait3A_101 = arith.constant 0 : i32
      %dma_wait3A_102 = tpu.memref_slice %arg2[%dma_wait3A, %dma_wait3A_101] : memref<262144x96xf32, #tpu.memory_space<hbm>> -> memref<262144x96xf32, #tpu.memory_space<hbm>>
      tpu.wait_indirect_dma semaphore(%arg13 : memref<!tpu.dma_semaphore, #tpu.memory_space<semaphore_mem>>) src(%dma_wait3A_102 : memref<262144x96xf32, #tpu.memory_space<hbm>>) dst(%arg10 : memref<576x96xf32, #tpu.memory_space<vmem>>)
      %scan3A_103 = arith.constant 0 : i32
      %scan3A_104 = arith.constant 0 : i32
      %scan3A_105 = arith.constant 9 : i32
      %scan3A_106 = arith.addi %scan3A_104, %scan3A_105 : i32
      %scan3A_107 = arith.constant 1 : i32
      scf.for %scan3A_171 = %scan3A_104 to %scan3A_106 step %scan3A_107  : i32 {
        %mul3A_172 = arith.constant 16 : i32
        %mul3A_173 = arith.muli %scan3A_171, %mul3A_172 : i32
        %get3A_174 = arith.constant 0 : i32
        %get3A_175 = arith.index_cast %get3A_174 : i32 to index
        %get3A_176 = arith.index_cast %mul3A_173 : i32 to index
        %get3A_177 = tpu.vector_load %arg8[%get3A_175, %get3A_176] {strides = array<i32>} : memref<4x144xf32, #tpu.memory_space<vmem>>, vector<16xf32>,
        %mul3A_178 = arith.constant 16 : i32
        %mul3A_179 = arith.muli %scan3A_171, %mul3A_178 : i32
        %get3A_180 = arith.constant 1 : i32
        %get3A_181 = arith.index_cast %get3A_180 : i32 to index
        %get3A_182 = arith.index_cast %mul3A_179 : i32 to index
        %get3A_183 = tpu.vector_load %arg8[%get3A_181, %get3A_182] {strides = array<i32>} : memref<4x144xf32, #tpu.memory_space<vmem>>, vector<16xf32>,
        %mul3A_184 = arith.constant 16 : i32
        %mul3A_185 = arith.muli %scan3A_171, %mul3A_184 : i32
        %get3A_186 = arith.constant 2 : i32
        %get3A_187 = arith.index_cast %get3A_186 : i32 to index
        %get3A_188 = arith.index_cast %mul3A_185 : i32 to index
        %get3A_189 = tpu.vector_load %arg8[%get3A_187, %get3A_188] {strides = array<i32>} : memref<4x144xf32, #tpu.memory_space<vmem>>, vector<16xf32>,
        %mul3A_190 = arith.constant 16 : i32
        %mul3A_191 = arith.muli %scan3A_171, %mul3A_190 : i32
        %get3A_192 = arith.constant 3 : i32
        %get3A_193 = arith.index_cast %get3A_192 : i32 to index
        %get3A_194 = arith.index_cast %mul3A_191 : i32 to index
        %get3A_195 = tpu.vector_load %arg8[%get3A_193, %get3A_194] {strides = array<i32>} : memref<4x144xf32, #tpu.memory_space<vmem>>, vector<16xf32>,
        %mul3A_196 = arith.constant 64 : i32
        %mul3A_197 = arith.muli %scan3A_171, %mul3A_196 : i32
        %mul3A_198 = arith.constant 16 : i32
        %mul3A_199 = arith.muli %scan3A_171, %mul3A_198 : i32
        %scan3A_200 = arith.constant 0 : i32
        %scan3A_201 = arith.constant 0 : i32
        %scan3A_202 = arith.constant 16 : i32
        %scan3A_203 = arith.addi %scan3A_201, %scan3A_202 : i32
        %scan3A_204 = arith.constant 1 : i32
        scf.for %scan3A_206 = %scan3A_201 to %scan3A_203 step %scan3A_204  : i32 {
          %broadcast_in_dim3A_207 = vector.broadcast %scan3A_206 : i32 to vector<16x1xi32>
          %gather3A_208 = vector.shape_cast %broadcast_in_dim3A_207 : vector<16x1xi32> to vector<16xi32>
          %gather3A_209 = tpu.dynamic_gather %get3A_177[%gather3A_208] in [0] : vector<16xf32>, vector<16xi32> -> vector<16xf32>
          %broadcast_in_dim3A_210 = vector.broadcast %scan3A_206 : i32 to vector<16x1xi32>
          %gather3A_211 = vector.shape_cast %broadcast_in_dim3A_210 : vector<16x1xi32> to vector<16xi32>
          %gather3A_212 = tpu.dynamic_gather %get3A_183[%gather3A_211] in [0] : vector<16xf32>, vector<16xi32> -> vector<16xf32>
          %broadcast_in_dim3A_213 = vector.broadcast %scan3A_206 : i32 to vector<16x1xi32>
          %gather3A_214 = vector.shape_cast %broadcast_in_dim3A_213 : vector<16x1xi32> to vector<16xi32>
          %gather3A_215 = tpu.dynamic_gather %get3A_189[%gather3A_214] in [0] : vector<16xf32>, vector<16xi32> -> vector<16xf32>
          %broadcast_in_dim3A_216 = vector.broadcast %scan3A_206 : i32 to vector<16x1xi32>
          %gather3A_217 = vector.shape_cast %broadcast_in_dim3A_216 : vector<16x1xi32> to vector<16xi32>
          %gather3A_218 = tpu.dynamic_gather %get3A_195[%gather3A_217] in [0] : vector<16xf32>, vector<16xi32> -> vector<16xf32>
          %add3A_219 = arith.addi %mul3A_197, %scan3A_206 : i32
          %add3A_220 = arith.addi %mul3A_199, %scan3A_206 : i32
          %broadcast_in_dim3A_221 = vector.broadcast %add3A_220 : i32 to vector<16xi32>
          %get3A_222 = arith.index_cast %add3A_219 : i32 to index
          %get3A_223 = arith.constant 0 : index
          %get3A_224 = tpu.vector_load %arg10[%get3A_222, %get3A_223] {strides = array<i32>} : memref<576x96xf32, #tpu.memory_space<vmem>>, vector<16xf32>,
          %add3A_225 = arith.constant 16 : i32
          %add3A_226 = arith.addi %add3A_219, %add3A_225 : i32
          %get3A_227 = arith.index_cast %add3A_226 : i32 to index
          %get3A_228 = arith.constant 0 : index
          %get3A_229 = tpu.vector_load %arg10[%get3A_227, %get3A_228] {strides = array<i32>} : memref<576x96xf32, #tpu.memory_space<vmem>>, vector<16xf32>,
          %add3A_230 = arith.constant 32 : i32
          %add3A_231 = arith.addi %add3A_219, %add3A_230 : i32
          %get3A_232 = arith.index_cast %add3A_231 : i32 to index
          %get3A_233 = arith.constant 0 : index
          %get3A_234 = tpu.vector_load %arg10[%get3A_232, %get3A_233] {strides = array<i32>} : memref<576x96xf32, #tpu.memory_space<vmem>>, vector<16xf32>,
          %add3A_235 = arith.constant 48 : i32
          %add3A_236 = arith.addi %add3A_219, %add3A_235 : i32
          %get3A_237 = arith.index_cast %add3A_236 : i32 to index
          %get3A_238 = arith.constant 0 : index
          %get3A_239 = tpu.vector_load %arg10[%get3A_237, %get3A_238] {strides = array<i32>} : memref<576x96xf32, #tpu.memory_space<vmem>>, vector<16xf32>,
          %mul3A_240 = arith.mulf %get3A_224, %gather3A_209 : vector<16xf32>
          %mul3A_241 = arith.mulf %get3A_229, %gather3A_212 : vector<16xf32>
          %add3A_242 = arith.addf %mul3A_240, %mul3A_241 : vector<16xf32>
          %mul3A_243 = arith.mulf %get3A_234, %gather3A_215 : vector<16xf32>
          %add3A_244 = arith.addf %add3A_242, %mul3A_243 : vector<16xf32>
          %mul3A_245 = arith.mulf %get3A_239, %gather3A_218 : vector<16xf32>
          %add3A_246 = arith.addf %add3A_244, %mul3A_245 : vector<16xf32>
          tpu.vector_store_idx %arg12[%add3A_5, %broadcast_in_dim3A_221], %add3A_246 : memref<96x145xf32, #tpu.memory_space<vmem>>[vector<16xi32>, vector<16xi32>], vector<16xf32>,
          %get3A_247 = arith.index_cast %add3A_219 : i32 to index
          %get3A_248 = arith.constant 16 : index
          %get3A_249 = tpu.vector_load %arg10[%get3A_247, %get3A_248] {strides = array<i32>} : memref<576x96xf32, #tpu.memory_space<vmem>>, vector<16xf32>,
          %add3A_250 = arith.constant 16 : i32
          %add3A_251 = arith.addi %add3A_219, %add3A_250 : i32
          %get3A_252 = arith.index_cast %add3A_251 : i32 to index
          %get3A_253 = arith.constant 16 : index
          %get3A_254 = tpu.vector_load %arg10[%get3A_252, %get3A_253] {strides = array<i32>} : memref<576x96xf32, #tpu.memory_space<vmem>>, vector<16xf32>,
          %add3A_255 = arith.constant 32 : i32
          %add3A_256 = arith.addi %add3A_219, %add3A_255 : i32
          %get3A_257 = arith.index_cast %add3A_256 : i32 to index
          %get3A_258 = arith.constant 16 : index
          %get3A_259 = tpu.vector_load %arg10[%get3A_257, %get3A_258] {strides = array<i32>} : memref<576x96xf32, #tpu.memory_space<vmem>>, vector<16xf32>,
          %add3A_260 = arith.constant 48 : i32
          %add3A_261 = arith.addi %add3A_219, %add3A_260 : i32
          %get3A_262 = arith.index_cast %add3A_261 : i32 to index
          %get3A_263 = arith.constant 16 : index
          %get3A_264 = tpu.vector_load %arg10[%get3A_262, %get3A_263] {strides = array<i32>} : memref<576x96xf32, #tpu.memory_space<vmem>>, vector<16xf32>,
          %mul3A_265 = arith.mulf %get3A_249, %gather3A_209 : vector<16xf32>
          %mul3A_266 = arith.mulf %get3A_254, %gather3A_212 : vector<16xf32>
          %add3A_267 = arith.addf %mul3A_265, %mul3A_266 : vector<16xf32>
          %mul3A_268 = arith.mulf %get3A_259, %gather3A_215 : vector<16xf32>
          %add3A_269 = arith.addf %add3A_267, %mul3A_268 : vector<16xf32>
          %mul3A_270 = arith.mulf %get3A_264, %gather3A_218 : vector<16xf32>
          %add3A_271 = arith.addf %add3A_269, %mul3A_270 : vector<16xf32>
          tpu.vector_store_idx %arg12[%add3A_8, %broadcast_in_dim3A_221], %add3A_271 : memref<96x145xf32, #tpu.memory_space<vmem>>[vector<16xi32>, vector<16xi32>], vector<16xf32>,
          %get3A_272 = arith.index_cast %add3A_219 : i32 to index
          %get3A_273 = arith.constant 32 : index
          %get3A_274 = tpu.vector_load %arg10[%get3A_272, %get3A_273] {strides = array<i32>} : memref<576x96xf32, #tpu.memory_space<vmem>>, vector<16xf32>,
          %add3A_275 = arith.constant 16 : i32
          %add3A_276 = arith.addi %add3A_219, %add3A_275 : i32
          %get3A_277 = arith.index_cast %add3A_276 : i32 to index
          %get3A_278 = arith.constant 32 : index
          %get3A_279 = tpu.vector_load %arg10[%get3A_277, %get3A_278] {strides = array<i32>} : memref<576x96xf32, #tpu.memory_space<vmem>>, vector<16xf32>,
          %add3A_280 = arith.constant 32 : i32
          %add3A_281 = arith.addi %add3A_219, %add3A_280 : i32
          %get3A_282 = arith.index_cast %add3A_281 : i32 to index
          %get3A_283 = arith.constant 32 : index
          %get3A_284 = tpu.vector_load %arg10[%get3A_282, %get3A_283] {strides = array<i32>} : memref<576x96xf32, #tpu.memory_space<vmem>>, vector<16xf32>,
          %add3A_285 = arith.constant 48 : i32
          %add3A_286 = arith.addi %add3A_219, %add3A_285 : i32
          %get3A_287 = arith.index_cast %add3A_286 : i32 to index
          %get3A_288 = arith.constant 32 : index
          %get3A_289 = tpu.vector_load %arg10[%get3A_287, %get3A_288] {strides = array<i32>} : memref<576x96xf32, #tpu.memory_space<vmem>>, vector<16xf32>,
          %mul3A_290 = arith.mulf %get3A_274, %gather3A_209 : vector<16xf32>
          %mul3A_291 = arith.mulf %get3A_279, %gather3A_212 : vector<16xf32>
          %add3A_292 = arith.addf %mul3A_290, %mul3A_291 : vector<16xf32>
          %mul3A_293 = arith.mulf %get3A_284, %gather3A_215 : vector<16xf32>
          %add3A_294 = arith.addf %add3A_292, %mul3A_293 : vector<16xf32>
          %mul3A_295 = arith.mulf %get3A_289, %gather3A_218 : vector<16xf32>
          %add3A_296 = arith.addf %add3A_294, %mul3A_295 : vector<16xf32>
          tpu.vector_store_idx %arg12[%add3A_11, %broadcast_in_dim3A_221], %add3A_296 : memref<96x145xf32, #tpu.memory_space<vmem>>[vector<16xi32>, vector<16xi32>], vector<16xf32>,
          %get3A_297 = arith.index_cast %add3A_219 : i32 to index
          %get3A_298 = arith.constant 48 : index
          %get3A_299 = tpu.vector_load %arg10[%get3A_297, %get3A_298] {strides = array<i32>} : memref<576x96xf32, #tpu.memory_space<vmem>>, vector<16xf32>,
          %add3A_300 = arith.constant 16 : i32
          %add3A_301 = arith.addi %add3A_219, %add3A_300 : i32
          %get3A_302 = arith.index_cast %add3A_301 : i32 to index
          %get3A_303 = arith.constant 48 : index
          %get3A_304 = tpu.vector_load %arg10[%get3A_302, %get3A_303] {strides = array<i32>} : memref<576x96xf32, #tpu.memory_space<vmem>>, vector<16xf32>,
          %add3A_305 = arith.constant 32 : i32
          %add3A_306 = arith.addi %add3A_219, %add3A_305 : i32
          %get3A_307 = arith.index_cast %add3A_306 : i32 to index
          %get3A_308 = arith.constant 48 : index
          %get3A_309 = tpu.vector_load %arg10[%get3A_307, %get3A_308] {strides = array<i32>} : memref<576x96xf32, #tpu.memory_space<vmem>>, vector<16xf32>,
          %add3A_310 = arith.constant 48 : i32
          %add3A_311 = arith.addi %add3A_219, %add3A_310 : i32
          %get3A_312 = arith.index_cast %add3A_311 : i32 to index
          %get3A_313 = arith.constant 48 : index
          %get3A_314 = tpu.vector_load %arg10[%get3A_312, %get3A_313] {strides = array<i32>} : memref<576x96xf32, #tpu.memory_space<vmem>>, vector<16xf32>,
          %mul3A_315 = arith.mulf %get3A_299, %gather3A_209 : vector<16xf32>
          %mul3A_316 = arith.mulf %get3A_304, %gather3A_212 : vector<16xf32>
          %add3A_317 = arith.addf %mul3A_315, %mul3A_316 : vector<16xf32>
          %mul3A_318 = arith.mulf %get3A_309, %gather3A_215 : vector<16xf32>
          %add3A_319 = arith.addf %add3A_317, %mul3A_318 : vector<16xf32>
          %mul3A_320 = arith.mulf %get3A_314, %gather3A_218 : vector<16xf32>
          %add3A_321 = arith.addf %add3A_319, %mul3A_320 : vector<16xf32>
          tpu.vector_store_idx %arg12[%add3A_14, %broadcast_in_dim3A_221], %add3A_321 : memref<96x145xf32, #tpu.memory_space<vmem>>[vector<16xi32>, vector<16xi32>], vector<16xf32>,
          %get3A_322 = arith.index_cast %add3A_219 : i32 to index
          %get3A_323 = arith.constant 64 : index
          %get3A_324 = tpu.vector_load %arg10[%get3A_322, %get3A_323] {strides = array<i32>} : memref<576x96xf32, #tpu.memory_space<vmem>>, vector<16xf32>,
          %add3A_325 = arith.constant 16 : i32
          %add3A_326 = arith.addi %add3A_219, %add3A_325 : i32
          %get3A_327 = arith.index_cast %add3A_326 : i32 to index
          %get3A_328 = arith.constant 64 : index
          %get3A_329 = tpu.vector_load %arg10[%get3A_327, %get3A_328] {strides = array<i32>} : memref<576x96xf32, #tpu.memory_space<vmem>>, vector<16xf32>,
          %add3A_330 = arith.constant 32 : i32
          %add3A_331 = arith.addi %add3A_219, %add3A_330 : i32
          %get3A_332 = arith.index_cast %add3A_331 : i32 to index
          %get3A_333 = arith.constant 64 : index
          %get3A_334 = tpu.vector_load %arg10[%get3A_332, %get3A_333] {strides = array<i32>} : memref<576x96xf32, #tpu.memory_space<vmem>>, vector<16xf32>,
          %add3A_335 = arith.constant 48 : i32
          %add3A_336 = arith.addi %add3A_219, %add3A_335 : i32
          %get3A_337 = arith.index_cast %add3A_336 : i32 to index
          %get3A_338 = arith.constant 64 : index
          %get3A_339 = tpu.vector_load %arg10[%get3A_337, %get3A_338] {strides = array<i32>} : memref<576x96xf32, #tpu.memory_space<vmem>>, vector<16xf32>,
          %mul3A_340 = arith.mulf %get3A_324, %gather3A_209 : vector<16xf32>
          %mul3A_341 = arith.mulf %get3A_329, %gather3A_212 : vector<16xf32>
          %add3A_342 = arith.addf %mul3A_340, %mul3A_341 : vector<16xf32>
          %mul3A_343 = arith.mulf %get3A_334, %gather3A_215 : vector<16xf32>
          %add3A_344 = arith.addf %add3A_342, %mul3A_343 : vector<16xf32>
          %mul3A_345 = arith.mulf %get3A_339, %gather3A_218 : vector<16xf32>
          %add3A_346 = arith.addf %add3A_344, %mul3A_345 : vector<16xf32>
          tpu.vector_store_idx %arg12[%add3A_17, %broadcast_in_dim3A_221], %add3A_346 : memref<96x145xf32, #tpu.memory_space<vmem>>[vector<16xi32>, vector<16xi32>], vector<16xf32>,
          %get3A_347 = arith.index_cast %add3A_219 : i32 to index
          %get3A_348 = arith.constant 80 : index
          %get3A_349 = tpu.vector_load %arg10[%get3A_347, %get3A_348] {strides = array<i32>} : memref<576x96xf32, #tpu.memory_space<vmem>>, vector<16xf32>,
          %add3A_350 = arith.constant 16 : i32
          %add3A_351 = arith.addi %add3A_219, %add3A_350 : i32
          %get3A_352 = arith.index_cast %add3A_351 : i32 to index
          %get3A_353 = arith.constant 80 : index
          %get3A_354 = tpu.vector_load %arg10[%get3A_352, %get3A_353] {strides = array<i32>} : memref<576x96xf32, #tpu.memory_space<vmem>>, vector<16xf32>,
          %add3A_355 = arith.constant 32 : i32
          %add3A_356 = arith.addi %add3A_219, %add3A_355 : i32
          %get3A_357 = arith.index_cast %add3A_356 : i32 to index
          %get3A_358 = arith.constant 80 : index
          %get3A_359 = tpu.vector_load %arg10[%get3A_357, %get3A_358] {strides = array<i32>} : memref<576x96xf32, #tpu.memory_space<vmem>>, vector<16xf32>,
          %add3A_360 = arith.constant 48 : i32
          %add3A_361 = arith.addi %add3A_219, %add3A_360 : i32
          %get3A_362 = arith.index_cast %add3A_361 : i32 to index
          %get3A_363 = arith.constant 80 : index
          %get3A_364 = tpu.vector_load %arg10[%get3A_362, %get3A_363] {strides = array<i32>} : memref<576x96xf32, #tpu.memory_space<vmem>>, vector<16xf32>,
          %mul3A_365 = arith.mulf %get3A_349, %gather3A_209 : vector<16xf32>
          %mul3A_366 = arith.mulf %get3A_354, %gather3A_212 : vector<16xf32>
          %add3A_367 = arith.addf %mul3A_365, %mul3A_366 : vector<16xf32>
          %mul3A_368 = arith.mulf %get3A_359, %gather3A_215 : vector<16xf32>
          %add3A_369 = arith.addf %add3A_367, %mul3A_368 : vector<16xf32>
          %mul3A_370 = arith.mulf %get3A_364, %gather3A_218 : vector<16xf32>
          %add3A_371 = arith.addf %add3A_369, %mul3A_370 : vector<16xf32>
          tpu.vector_store_idx %arg12[%add3A_20, %broadcast_in_dim3A_221], %add3A_371 : memref<96x145xf32, #tpu.memory_space<vmem>>[vector<16xi32>, vector<16xi32>], vector<16xf32>,
        }
        %scan3A_205 = arith.constant 16 : i32
      }
      %scan3A_108 = arith.constant 9 : i32
      %add3A_109 = arith.addi %mul3A_2, %mul3A_60 : i32
      %lt3A = arith.constant 1000 : i32
      %lt3A_110 = arith.cmpi slt, %add3A_109, %lt3A : i32
      %convert_element_type3A = arith.extui %lt3A_110 : i1 to i32
      %cond3A = arith.constant 0 : i32
      %cond3A_111 = arith.cmpi ne, %convert_element_type3A, %cond3A : i32
      scf.if %cond3A_111 {
        "tpu.region"() ({
          %run_scoped3A = tpu.sem_alloc : memref<!tpu.dma_semaphore, #tpu.memory_space<semaphore_mem>>
          %dma_start3A_171 = arith.constant 0 : i32
          %dma_start3A_172 = arith.constant 0 : i32
          %dma_start3A_173 = tpu.memref_slice %arg12[%dma_start3A_171, %dma_start3A_172] : memref<96x145xf32, #tpu.memory_space<vmem>> -> memref<96x144xf32, #tpu.memory_space<vmem>>
          %dma_start3A_174 = arith.constant 0 : i32
          %dma_start3A_175 = arith.constant 0 : i32
          %dma_start3A_176 = tpu.memref_slice %arg4[%add3A_109, %dma_start3A_174, %dma_start3A_175] : memref<1000x96x144xf32, #tpu.memory_space<hbm>> -> memref<1x96x144xf32, #tpu.memory_space<hbm>>
          %dma_start3A_177 = tpu.memref_squeeze %dma_start3A_176 : memref<1x96x144xf32, #tpu.memory_space<hbm>> -> memref<96x144xf32, #tpu.memory_space<hbm>>
          %dma_start3A_178 = arith.constant 0 : i32
          %dma_start3A_179 = arith.constant 0 : i32
          %dma_start3A_180 = tpu.memref_slice %arg4[%add3A_109, %dma_start3A_178, %dma_start3A_179] : memref<1000x96x144xf32, #tpu.memory_space<hbm>> -> memref<1x96x144xf32, #tpu.memory_space<hbm>>
          %dma_start3A_181 = tpu.memref_squeeze %dma_start3A_180 : memref<1x96x144xf32, #tpu.memory_space<hbm>> -> memref<96x144xf32, #tpu.memory_space<hbm>>
          %dma_start3A_182 = arith.constant 0 : i32
          %dma_start3A_183 = arith.constant 0 : i32
          %dma_start3A_184 = tpu.memref_slice %arg12[%dma_start3A_182, %dma_start3A_183] : memref<96x145xf32, #tpu.memory_space<vmem>> -> memref<96x144xf32, #tpu.memory_space<vmem>>
          tpu.enqueue_dma source(%dma_start3A_184 : memref<96x144xf32, #tpu.memory_space<vmem>>) target(%dma_start3A_181 : memref<96x144xf32, #tpu.memory_space<hbm>>) target_semaphore(%run_scoped3A : memref<!tpu.dma_semaphore, #tpu.memory_space<semaphore_mem>>)
          %dma_wait3A_185 = arith.constant 0 : i32
          %dma_wait3A_186 = arith.constant 0 : i32
          %dma_wait3A_187 = tpu.memref_slice %arg12[%dma_wait3A_185, %dma_wait3A_186] : memref<96x145xf32, #tpu.memory_space<vmem>> -> memref<96x144xf32, #tpu.memory_space<vmem>>
          %dma_wait3A_188 = arith.constant 0 : i32
          %dma_wait3A_189 = arith.constant 0 : i32
          %dma_wait3A_190 = tpu.memref_slice %arg4[%add3A_109, %dma_wait3A_188, %dma_wait3A_189] : memref<1000x96x144xf32, #tpu.memory_space<hbm>> -> memref<1x96x144xf32, #tpu.memory_space<hbm>>
          %dma_wait3A_191 = tpu.memref_squeeze %dma_wait3A_190 : memref<1x96x144xf32, #tpu.memory_space<hbm>> -> memref<96x144xf32, #tpu.memory_space<hbm>>
          %dma_wait3A_192 = arith.constant 0 : i32
          %dma_wait3A_193 = arith.constant 0 : i32
          %dma_wait3A_194 = tpu.memref_slice %arg4[%add3A_109, %dma_wait3A_192, %dma_wait3A_193] : memref<1000x96x144xf32, #tpu.memory_space<hbm>> -> memref<1x96x144xf32, #tpu.memory_space<hbm>>
          %dma_wait3A_195 = tpu.memref_squeeze %dma_wait3A_194 : memref<1x96x144xf32, #tpu.memory_space<hbm>> -> memref<96x144xf32, #tpu.memory_space<hbm>>
          %dma_wait3A_196 = arith.constant 0 : i32
          %dma_wait3A_197 = arith.constant 0 : i32
          %dma_wait3A_198 = tpu.memref_slice %arg12[%dma_wait3A_196, %dma_wait3A_197] : memref<96x145xf32, #tpu.memory_space<vmem>> -> memref<96x144xf32, #tpu.memory_space<vmem>>
          tpu.wait_dma2 semaphore(%run_scoped3A : memref<!tpu.dma_semaphore, #tpu.memory_space<semaphore_mem>>) src(%dma_wait3A_198 : memref<96x144xf32, #tpu.memory_space<vmem>>) dst(%dma_wait3A_195 : memref<96x144xf32, #tpu.memory_space<hbm>>)
          tpu.yield
        }) : () -> ()
      } else {
      }
      %add3A_112 = arith.constant 2 : i32
      %add3A_113 = arith.addi %mul3A_60, %add3A_112 : i32
      %min3A_114 = arith.constant 31 : i32
      %min3A_115 = arith.minsi %add3A_113, %min3A_114 : i32
      %get3A_116 = arith.index_cast %min3A_115 : i32 to index
      %get3A_117 = arith.constant 0 : index
      %get3A_118 = tpu.vector_load %arg5[%get3A_116, %get3A_117] {strides = array<i32>} : memref<32x16xf32, #tpu.memory_space<vmem>>, vector<16xf32>,
      %broadcast_in_dim3A_119 = arith.constant 1 : i32
      %broadcast_in_dim3A_120 = vector.broadcast %broadcast_in_dim3A_119 : i32 to vector<16x1xi32>
      %gather3A_121 = vector.shape_cast %broadcast_in_dim3A_120 : vector<16x1xi32> to vector<16xi32>
      %gather3A_122 = tpu.dynamic_gather %get3A_118[%gather3A_121] in [0] : vector<16xf32>, vector<16xi32> -> vector<16xf32>
      %broadcast_in_dim3A_123 = arith.constant 2 : i32
      %broadcast_in_dim3A_124 = vector.broadcast %broadcast_in_dim3A_123 : i32 to vector<16x1xi32>
      %gather3A_125 = vector.shape_cast %broadcast_in_dim3A_124 : vector<16x1xi32> to vector<16xi32>
      %gather3A_126 = tpu.dynamic_gather %get3A_118[%gather3A_125] in [0] : vector<16xf32>, vector<16xi32> -> vector<16xf32>
      %broadcast_in_dim3A_127 = arith.constant 3 : i32
      %broadcast_in_dim3A_128 = vector.broadcast %broadcast_in_dim3A_127 : i32 to vector<16x1xi32>
      %gather3A_129 = vector.shape_cast %broadcast_in_dim3A_128 : vector<16x1xi32> to vector<16xi32>
      %gather3A_130 = tpu.dynamic_gather %get3A_118[%gather3A_129] in [0] : vector<16xf32>, vector<16xi32> -> vector<16xf32>
      %broadcast_in_dim3A_131 = arith.constant 4 : i32
      %broadcast_in_dim3A_132 = vector.broadcast %broadcast_in_dim3A_131 : i32 to vector<16x1xi32>
      %gather3A_133 = vector.shape_cast %broadcast_in_dim3A_132 : vector<16x1xi32> to vector<16xi32>
      %gather3A_134 = tpu.dynamic_gather %get3A_118[%gather3A_133] in [0] : vector<16xf32>, vector<16xi32> -> vector<16xf32>
      %sub3A_135 = arith.subf %gather3A_130, %gather3A_122 : vector<16xf32>
      %div3A_136 = arith.constant 1.200000e+01 : f32
      %div3A_137 = vector.broadcast %div3A_136 : f32 to vector<16xf32>
      %div3A_138 = arith.divf %sub3A_135, %div3A_137 : vector<16xf32>
      %sub3A_139 = arith.subf %gather3A_134, %gather3A_126 : vector<16xf32>
      %div3A_140 = arith.constant 1.200000e+01 : f32
      %div3A_141 = vector.broadcast %div3A_140 : f32 to vector<16xf32>
      %div3A_142 = arith.divf %sub3A_139, %div3A_141 : vector<16xf32>
      %scan3A_143 = arith.constant 0 : i32
      %scan3A_144 = arith.constant 0 : i32
      %scan3A_145 = arith.constant 9 : i32
      %scan3A_146 = arith.addi %scan3A_144, %scan3A_145 : i32
      %scan3A_147 = arith.constant 1 : i32
      scf.for %scan3A_171 = %scan3A_144 to %scan3A_146 step %scan3A_147  : i32 {
        %mul3A_172 = arith.constant 16 : i32
        %mul3A_173 = arith.muli %scan3A_171, %mul3A_172 : i32
        %add3A_174 = vector.broadcast %mul3A_173 : i32 to vector<16xi32>
        %add3A_175 = arith.addi %iota3A, %add3A_174 : vector<16xi32>
        %div3A_176 = arith.constant 12 : i32
        %div3A_177 = vector.broadcast %div3A_176 : i32 to vector<16xi32>
        %div3A_178 = arith.divsi %add3A_175, %div3A_177 : vector<16xi32>
        %mul3A_179 = arith.constant 12 : i32
        %mul3A_180 = vector.broadcast %mul3A_179 : i32 to vector<16xi32>
        %mul3A_181 = arith.muli %div3A_178, %mul3A_180 : vector<16xi32>
        %sub3A_182 = arith.subi %add3A_175, %mul3A_181 : vector<16xi32>
        %convert_element_type3A_183 = arith.sitofp %div3A_178 : vector<16xi32> to vector<16xf32>
        %add3A_184 = arith.constant 5.000000e-01 : f32
        %add3A_185 = vector.broadcast %add3A_184 : f32 to vector<16xf32>
        %add3A_186 = arith.addf %convert_element_type3A_183, %add3A_185 : vector<16xf32>
        %mul3A_187 = arith.mulf %add3A_186, %div3A_142 : vector<16xf32>
        %add3A_188 = arith.addf %gather3A_126, %mul3A_187 : vector<16xf32>
        %convert_element_type3A_189 = arith.sitofp %sub3A_182 : vector<16xi32> to vector<16xf32>
        %add3A_190 = arith.constant 5.000000e-01 : f32
        %add3A_191 = vector.broadcast %add3A_190 : f32 to vector<16xf32>
        %add3A_192 = arith.addf %convert_element_type3A_189, %add3A_191 : vector<16xf32>
        %mul3A_193 = arith.mulf %add3A_192, %div3A_138 : vector<16xf32>
        %add3A_194 = arith.addf %gather3A_122, %mul3A_193 : vector<16xf32>
        %convert_element_type3A_195 = arith.fptosi %add3A_188 : vector<16xf32> to vector<16xi32>
        %convert_element_type3A_196 = arith.fptosi %add3A_194 : vector<16xf32> to vector<16xi32>
        %convert_element_type3A_197 = arith.sitofp %convert_element_type3A_195 : vector<16xi32> to vector<16xf32>
        %sub3A_198 = arith.subf %add3A_188, %convert_element_type3A_197 : vector<16xf32>
        %convert_element_type3A_199 = arith.sitofp %convert_element_type3A_196 : vector<16xi32> to vector<16xf32>
        %sub3A_200 = arith.subf %add3A_194, %convert_element_type3A_199 : vector<16xf32>
        %sub3A_201 = arith.constant 1.000000e+00 : f32
        %sub3A_202 = vector.broadcast %sub3A_201 : f32 to vector<16xf32>
        %sub3A_203 = arith.subf %sub3A_202, %sub3A_198 : vector<16xf32>
        %sub3A_204 = arith.constant 1.000000e+00 : f32
        %sub3A_205 = vector.broadcast %sub3A_204 : f32 to vector<16xf32>
        %sub3A_206 = arith.subf %sub3A_205, %sub3A_200 : vector<16xf32>
        %max3A = arith.constant 0 : i32
        %max3A_207 = vector.broadcast %max3A : i32 to vector<16xi32>
        %max3A_208 = arith.maxsi %convert_element_type3A_195, %max3A_207 : vector<16xi32>
        %min3A_209 = arith.constant 511 : i32
        %min3A_210 = vector.broadcast %min3A_209 : i32 to vector<16xi32>
        %min3A_211 = arith.minsi %max3A_208, %min3A_210 : vector<16xi32>
        %max3A_212 = arith.constant 0 : i32
        %max3A_213 = vector.broadcast %max3A_212 : i32 to vector<16xi32>
        %max3A_214 = arith.maxsi %convert_element_type3A_196, %max3A_213 : vector<16xi32>
        %min3A_215 = arith.constant 511 : i32
        %min3A_216 = vector.broadcast %min3A_215 : i32 to vector<16xi32>
        %min3A_217 = arith.minsi %max3A_214, %min3A_216 : vector<16xi32>
        %add3A_218 = arith.constant 1 : i32
        %add3A_219 = vector.broadcast %add3A_218 : i32 to vector<16xi32>
        %add3A_220 = arith.addi %min3A_211, %add3A_219 : vector<16xi32>
        %min3A_221 = arith.constant 511 : i32
        %min3A_222 = vector.broadcast %min3A_221 : i32 to vector<16xi32>
        %min3A_223 = arith.minsi %add3A_220, %min3A_222 : vector<16xi32>
        %add3A_224 = arith.constant 1 : i32
        %add3A_225 = vector.broadcast %add3A_224 : i32 to vector<16xi32>
        %add3A_226 = arith.addi %min3A_217, %add3A_225 : vector<16xi32>
        %min3A_227 = arith.constant 511 : i32
        %min3A_228 = vector.broadcast %min3A_227 : i32 to vector<16xi32>
        %min3A_229 = arith.minsi %add3A_226, %min3A_228 : vector<16xi32>
        %mul3A_230 = arith.constant 64 : i32
        %mul3A_231 = arith.muli %scan3A_171, %mul3A_230 : i32
        %mul3A_232 = arith.constant 512 : i32
        %mul3A_233 = vector.broadcast %mul3A_232 : i32 to vector<16xi32>
        %mul3A_234 = arith.muli %min3A_211, %mul3A_233 : vector<16xi32>
        %add3A_235 = arith.addi %mul3A_234, %min3A_217 : vector<16xi32>
        %swap3A = arith.index_cast %mul3A_231 : i32 to index
        %swap3A_236 = tpu.vector_load %arg6[%swap3A] {strides = array<i32>} : memref<576xi32, #tpu.memory_space<vmem>>, vector<16xi32>,
        tpu.vector_store %arg6[%swap3A], %add3A_235 {strides = array<i32>} : memref<576xi32, #tpu.memory_space<vmem>>, vector<16xi32>,
        %mul3A_237 = arith.constant 512 : i32
        %mul3A_238 = vector.broadcast %mul3A_237 : i32 to vector<16xi32>
        %mul3A_239 = arith.muli %min3A_211, %mul3A_238 : vector<16xi32>
        %add3A_240 = arith.addi %mul3A_239, %min3A_229 : vector<16xi32>
        %add3A_241 = arith.constant 16 : i32
        %add3A_242 = arith.addi %mul3A_231, %add3A_241 : i32
        %swap3A_243 = arith.index_cast %add3A_242 : i32 to index
        %swap3A_244 = tpu.vector_load %arg6[%swap3A_243] {strides = array<i32>} : memref<576xi32, #tpu.memory_space<vmem>>, vector<16xi32>,
        tpu.vector_store %arg6[%swap3A_243], %add3A_240 {strides = array<i32>} : memref<576xi32, #tpu.memory_space<vmem>>, vector<16xi32>,
        %mul3A_245 = arith.constant 512 : i32
        %mul3A_246 = vector.broadcast %mul3A_245 : i32 to vector<16xi32>
        %mul3A_247 = arith.muli %min3A_223, %mul3A_246 : vector<16xi32>
        %add3A_248 = arith.addi %mul3A_247, %min3A_217 : vector<16xi32>
        %add3A_249 = arith.constant 32 : i32
        %add3A_250 = arith.addi %mul3A_231, %add3A_249 : i32
        %swap3A_251 = arith.index_cast %add3A_250 : i32 to index
        %swap3A_252 = tpu.vector_load %arg6[%swap3A_251] {strides = array<i32>} : memref<576xi32, #tpu.memory_space<vmem>>, vector<16xi32>,
        tpu.vector_store %arg6[%swap3A_251], %add3A_248 {strides = array<i32>} : memref<576xi32, #tpu.memory_space<vmem>>, vector<16xi32>,
        %mul3A_253 = arith.constant 512 : i32
        %mul3A_254 = vector.broadcast %mul3A_253 : i32 to vector<16xi32>
        %mul3A_255 = arith.muli %min3A_223, %mul3A_254 : vector<16xi32>
        %add3A_256 = arith.addi %mul3A_255, %min3A_229 : vector<16xi32>
        %add3A_257 = arith.constant 48 : i32
        %add3A_258 = arith.addi %mul3A_231, %add3A_257 : i32
        %swap3A_259 = arith.index_cast %add3A_258 : i32 to index
        %swap3A_260 = tpu.vector_load %arg6[%swap3A_259] {strides = array<i32>} : memref<576xi32, #tpu.memory_space<vmem>>, vector<16xi32>,
        tpu.vector_store %arg6[%swap3A_259], %add3A_256 {strides = array<i32>} : memref<576xi32, #tpu.memory_space<vmem>>, vector<16xi32>,
        %mul3A_261 = arith.mulf %sub3A_203, %sub3A_206 : vector<16xf32>
        %mul3A_262 = arith.constant 16 : i32
        %mul3A_263 = arith.muli %scan3A_171, %mul3A_262 : i32
        %swap3A_264 = arith.constant 0 : i32
        %swap3A_265 = arith.index_cast %swap3A_264 : i32 to index
        %swap3A_266 = arith.index_cast %mul3A_263 : i32 to index
        %swap3A_267 = tpu.vector_load %arg8[%swap3A_265, %swap3A_266] {strides = array<i32>} : memref<4x144xf32, #tpu.memory_space<vmem>>, vector<16xf32>,
        tpu.vector_store %arg8[%swap3A_265, %swap3A_266], %mul3A_261 {strides = array<i32>} : memref<4x144xf32, #tpu.memory_space<vmem>>, vector<16xf32>,
        %mul3A_268 = arith.mulf %sub3A_203, %sub3A_200 : vector<16xf32>
        %mul3A_269 = arith.constant 16 : i32
        %mul3A_270 = arith.muli %scan3A_171, %mul3A_269 : i32
        %swap3A_271 = arith.constant 1 : i32
        %swap3A_272 = arith.index_cast %swap3A_271 : i32 to index
        %swap3A_273 = arith.index_cast %mul3A_270 : i32 to index
        %swap3A_274 = tpu.vector_load %arg8[%swap3A_272, %swap3A_273] {strides = array<i32>} : memref<4x144xf32, #tpu.memory_space<vmem>>, vector<16xf32>,
        tpu.vector_store %arg8[%swap3A_272, %swap3A_273], %mul3A_268 {strides = array<i32>} : memref<4x144xf32, #tpu.memory_space<vmem>>, vector<16xf32>,
        %mul3A_275 = arith.mulf %sub3A_198, %sub3A_206 : vector<16xf32>
        %mul3A_276 = arith.constant 16 : i32
        %mul3A_277 = arith.muli %scan3A_171, %mul3A_276 : i32
        %swap3A_278 = arith.constant 2 : i32
        %swap3A_279 = arith.index_cast %swap3A_278 : i32 to index
        %swap3A_280 = arith.index_cast %mul3A_277 : i32 to index
        %swap3A_281 = tpu.vector_load %arg8[%swap3A_279, %swap3A_280] {strides = array<i32>} : memref<4x144xf32, #tpu.memory_space<vmem>>, vector<16xf32>,
        tpu.vector_store %arg8[%swap3A_279, %swap3A_280], %mul3A_275 {strides = array<i32>} : memref<4x144xf32, #tpu.memory_space<vmem>>, vector<16xf32>,
        %mul3A_282 = arith.mulf %sub3A_198, %sub3A_200 : vector<16xf32>
        %mul3A_283 = arith.constant 16 : i32
        %mul3A_284 = arith.muli %scan3A_171, %mul3A_283 : i32
        %swap3A_285 = arith.constant 3 : i32
        %swap3A_286 = arith.index_cast %swap3A_285 : i32 to index
        %swap3A_287 = arith.index_cast %mul3A_284 : i32 to index
        %swap3A_288 = tpu.vector_load %arg8[%swap3A_286, %swap3A_287] {strides = array<i32>} : memref<4x144xf32, #tpu.memory_space<vmem>>, vector<16xf32>,
        tpu.vector_store %arg8[%swap3A_286, %swap3A_287], %mul3A_282 {strides = array<i32>} : memref<4x144xf32, #tpu.memory_space<vmem>>, vector<16xf32>,
      }
      %scan3A_148 = arith.constant 9 : i32
      %lt3A_149 = arith.constant 15 : i32
      %lt3A_150 = arith.cmpi slt, %scan3A_58, %lt3A_149 : i32
      %convert_element_type3A_151 = arith.extui %lt3A_150 : i1 to i32
      %cond3A_152 = arith.constant 0 : i32
      %cond3A_153 = arith.cmpi ne, %convert_element_type3A_151, %cond3A_152 : i32
      scf.if %cond3A_153 {
        %dma_start3A_171 = arith.constant 0 : i32
        %dma_start3A_172 = arith.constant 0 : i32
        %dma_start3A_173 = tpu.memref_slice %arg2[%dma_start3A_171, %dma_start3A_172] : memref<262144x96xf32, #tpu.memory_space<hbm>> -> memref<262144x96xf32, #tpu.memory_space<hbm>>
        tpu.enqueue_indirect_dma source(%dma_start3A_173 : memref<262144x96xf32, #tpu.memory_space<hbm>>) target(%arg10 : memref<576x96xf32, #tpu.memory_space<vmem>>) offsets(%arg6 : memref<576xi32, #tpu.memory_space<vmem>>) semaphore(%arg13 : memref<!tpu.dma_semaphore, #tpu.memory_space<semaphore_mem>>)
      } else {
      }
      %dma_wait3A_154 = arith.constant 0 : i32
      %dma_wait3A_155 = arith.constant 0 : i32
      %dma_wait3A_156 = tpu.memref_slice %arg2[%dma_wait3A_154, %dma_wait3A_155] : memref<262144x96xf32, #tpu.memory_space<hbm>> -> memref<262144x96xf32, #tpu.memory_space<hbm>>
      tpu.wait_indirect_dma semaphore(%arg14 : memref<!tpu.dma_semaphore, #tpu.memory_space<semaphore_mem>>) src(%dma_wait3A_156 : memref<262144x96xf32, #tpu.memory_space<hbm>>) dst(%arg11 : memref<576x96xf32, #tpu.memory_space<vmem>>)
      %add3A_157 = arith.constant 1 : i32
      %add3A_158 = arith.addi %mul3A_60, %add3A_157 : i32
      %scan3A_159 = arith.constant 0 : i32
      %scan3A_160 = arith.constant 0 : i32
      %scan3A_161 = arith.constant 9 : i32
      %scan3A_162 = arith.addi %scan3A_160, %scan3A_161 : i32
      %scan3A_163 = arith.constant 1 : i32
      scf.for %scan3A_171 = %scan3A_160 to %scan3A_162 step %scan3A_163  : i32 {
        %mul3A_172 = arith.constant 16 : i32
        %mul3A_173 = arith.muli %scan3A_171, %mul3A_172 : i32
        %get3A_174 = arith.constant 0 : i32
        %get3A_175 = arith.index_cast %get3A_174 : i32 to index
        %get3A_176 = arith.index_cast %mul3A_173 : i32 to index
        %get3A_177 = tpu.vector_load %arg9[%get3A_175, %get3A_176] {strides = array<i32>} : memref<4x144xf32, #tpu.memory_space<vmem>>, vector<16xf32>,
        %mul3A_178 = arith.constant 16 : i32
        %mul3A_179 = arith.muli %scan3A_171, %mul3A_178 : i32
        %get3A_180 = arith.constant 1 : i32
        %get3A_181 = arith.index_cast %get3A_180 : i32 to index
        %get3A_182 = arith.index_cast %mul3A_179 : i32 to index
        %get3A_183 = tpu.vector_load %arg9[%get3A_181, %get3A_182] {strides = array<i32>} : memref<4x144xf32, #tpu.memory_space<vmem>>, vector<16xf32>,
        %mul3A_184 = arith.constant 16 : i32
        %mul3A_185 = arith.muli %scan3A_171, %mul3A_184 : i32
        %get3A_186 = arith.constant 2 : i32
        %get3A_187 = arith.index_cast %get3A_186 : i32 to index
        %get3A_188 = arith.index_cast %mul3A_185 : i32 to index
        %get3A_189 = tpu.vector_load %arg9[%get3A_187, %get3A_188] {strides = array<i32>} : memref<4x144xf32, #tpu.memory_space<vmem>>, vector<16xf32>,
        %mul3A_190 = arith.constant 16 : i32
        %mul3A_191 = arith.muli %scan3A_171, %mul3A_190 : i32
        %get3A_192 = arith.constant 3 : i32
        %get3A_193 = arith.index_cast %get3A_192 : i32 to index
        %get3A_194 = arith.index_cast %mul3A_191 : i32 to index
        %get3A_195 = tpu.vector_load %arg9[%get3A_193, %get3A_194] {strides = array<i32>} : memref<4x144xf32, #tpu.memory_space<vmem>>, vector<16xf32>,
        %mul3A_196 = arith.constant 64 : i32
        %mul3A_197 = arith.muli %scan3A_171, %mul3A_196 : i32
        %mul3A_198 = arith.constant 16 : i32
        %mul3A_199 = arith.muli %scan3A_171, %mul3A_198 : i32
        %scan3A_200 = arith.constant 0 : i32
        %scan3A_201 = arith.constant 0 : i32
        %scan3A_202 = arith.constant 16 : i32
        %scan3A_203 = arith.addi %scan3A_201, %scan3A_202 : i32
        %scan3A_204 = arith.constant 1 : i32
        scf.for %scan3A_206 = %scan3A_201 to %scan3A_203 step %scan3A_204  : i32 {
          %broadcast_in_dim3A_207 = vector.broadcast %scan3A_206 : i32 to vector<16x1xi32>
          %gather3A_208 = vector.shape_cast %broadcast_in_dim3A_207 : vector<16x1xi32> to vector<16xi32>
          %gather3A_209 = tpu.dynamic_gather %get3A_177[%gather3A_208] in [0] : vector<16xf32>, vector<16xi32> -> vector<16xf32>
          %broadcast_in_dim3A_210 = vector.broadcast %scan3A_206 : i32 to vector<16x1xi32>
          %gather3A_211 = vector.shape_cast %broadcast_in_dim3A_210 : vector<16x1xi32> to vector<16xi32>
          %gather3A_212 = tpu.dynamic_gather %get3A_183[%gather3A_211] in [0] : vector<16xf32>, vector<16xi32> -> vector<16xf32>
          %broadcast_in_dim3A_213 = vector.broadcast %scan3A_206 : i32 to vector<16x1xi32>
          %gather3A_214 = vector.shape_cast %broadcast_in_dim3A_213 : vector<16x1xi32> to vector<16xi32>
          %gather3A_215 = tpu.dynamic_gather %get3A_189[%gather3A_214] in [0] : vector<16xf32>, vector<16xi32> -> vector<16xf32>
          %broadcast_in_dim3A_216 = vector.broadcast %scan3A_206 : i32 to vector<16x1xi32>
          %gather3A_217 = vector.shape_cast %broadcast_in_dim3A_216 : vector<16x1xi32> to vector<16xi32>
          %gather3A_218 = tpu.dynamic_gather %get3A_195[%gather3A_217] in [0] : vector<16xf32>, vector<16xi32> -> vector<16xf32>
          %add3A_219 = arith.addi %mul3A_197, %scan3A_206 : i32
          %add3A_220 = arith.addi %mul3A_199, %scan3A_206 : i32
          %broadcast_in_dim3A_221 = vector.broadcast %add3A_220 : i32 to vector<16xi32>
          %get3A_222 = arith.index_cast %add3A_219 : i32 to index
          %get3A_223 = arith.constant 0 : index
          %get3A_224 = tpu.vector_load %arg11[%get3A_222, %get3A_223] {strides = array<i32>} : memref<576x96xf32, #tpu.memory_space<vmem>>, vector<16xf32>,
          %add3A_225 = arith.constant 16 : i32
          %add3A_226 = arith.addi %add3A_219, %add3A_225 : i32
          %get3A_227 = arith.index_cast %add3A_226 : i32 to index
          %get3A_228 = arith.constant 0 : index
          %get3A_229 = tpu.vector_load %arg11[%get3A_227, %get3A_228] {strides = array<i32>} : memref<576x96xf32, #tpu.memory_space<vmem>>, vector<16xf32>,
          %add3A_230 = arith.constant 32 : i32
          %add3A_231 = arith.addi %add3A_219, %add3A_230 : i32
          %get3A_232 = arith.index_cast %add3A_231 : i32 to index
          %get3A_233 = arith.constant 0 : index
          %get3A_234 = tpu.vector_load %arg11[%get3A_232, %get3A_233] {strides = array<i32>} : memref<576x96xf32, #tpu.memory_space<vmem>>, vector<16xf32>,
          %add3A_235 = arith.constant 48 : i32
          %add3A_236 = arith.addi %add3A_219, %add3A_235 : i32
          %get3A_237 = arith.index_cast %add3A_236 : i32 to index
          %get3A_238 = arith.constant 0 : index
          %get3A_239 = tpu.vector_load %arg11[%get3A_237, %get3A_238] {strides = array<i32>} : memref<576x96xf32, #tpu.memory_space<vmem>>, vector<16xf32>,
          %mul3A_240 = arith.mulf %get3A_224, %gather3A_209 : vector<16xf32>
          %mul3A_241 = arith.mulf %get3A_229, %gather3A_212 : vector<16xf32>
          %add3A_242 = arith.addf %mul3A_240, %mul3A_241 : vector<16xf32>
          %mul3A_243 = arith.mulf %get3A_234, %gather3A_215 : vector<16xf32>
          %add3A_244 = arith.addf %add3A_242, %mul3A_243 : vector<16xf32>
          %mul3A_245 = arith.mulf %get3A_239, %gather3A_218 : vector<16xf32>
          %add3A_246 = arith.addf %add3A_244, %mul3A_245 : vector<16xf32>
          tpu.vector_store_idx %arg12[%add3A_5, %broadcast_in_dim3A_221], %add3A_246 : memref<96x145xf32, #tpu.memory_space<vmem>>[vector<16xi32>, vector<16xi32>], vector<16xf32>,
          %get3A_247 = arith.index_cast %add3A_219 : i32 to index
          %get3A_248 = arith.constant 16 : index
          %get3A_249 = tpu.vector_load %arg11[%get3A_247, %get3A_248] {strides = array<i32>} : memref<576x96xf32, #tpu.memory_space<vmem>>, vector<16xf32>,
          %add3A_250 = arith.constant 16 : i32
          %add3A_251 = arith.addi %add3A_219, %add3A_250 : i32
          %get3A_252 = arith.index_cast %add3A_251 : i32 to index
          %get3A_253 = arith.constant 16 : index
          %get3A_254 = tpu.vector_load %arg11[%get3A_252, %get3A_253] {strides = array<i32>} : memref<576x96xf32, #tpu.memory_space<vmem>>, vector<16xf32>,
          %add3A_255 = arith.constant 32 : i32
          %add3A_256 = arith.addi %add3A_219, %add3A_255 : i32
          %get3A_257 = arith.index_cast %add3A_256 : i32 to index
          %get3A_258 = arith.constant 16 : index
          %get3A_259 = tpu.vector_load %arg11[%get3A_257, %get3A_258] {strides = array<i32>} : memref<576x96xf32, #tpu.memory_space<vmem>>, vector<16xf32>,
          %add3A_260 = arith.constant 48 : i32
          %add3A_261 = arith.addi %add3A_219, %add3A_260 : i32
          %get3A_262 = arith.index_cast %add3A_261 : i32 to index
          %get3A_263 = arith.constant 16 : index
          %get3A_264 = tpu.vector_load %arg11[%get3A_262, %get3A_263] {strides = array<i32>} : memref<576x96xf32, #tpu.memory_space<vmem>>, vector<16xf32>,
          %mul3A_265 = arith.mulf %get3A_249, %gather3A_209 : vector<16xf32>
          %mul3A_266 = arith.mulf %get3A_254, %gather3A_212 : vector<16xf32>
          %add3A_267 = arith.addf %mul3A_265, %mul3A_266 : vector<16xf32>
          %mul3A_268 = arith.mulf %get3A_259, %gather3A_215 : vector<16xf32>
          %add3A_269 = arith.addf %add3A_267, %mul3A_268 : vector<16xf32>
          %mul3A_270 = arith.mulf %get3A_264, %gather3A_218 : vector<16xf32>
          %add3A_271 = arith.addf %add3A_269, %mul3A_270 : vector<16xf32>
          tpu.vector_store_idx %arg12[%add3A_8, %broadcast_in_dim3A_221], %add3A_271 : memref<96x145xf32, #tpu.memory_space<vmem>>[vector<16xi32>, vector<16xi32>], vector<16xf32>,
          %get3A_272 = arith.index_cast %add3A_219 : i32 to index
          %get3A_273 = arith.constant 32 : index
          %get3A_274 = tpu.vector_load %arg11[%get3A_272, %get3A_273] {strides = array<i32>} : memref<576x96xf32, #tpu.memory_space<vmem>>, vector<16xf32>,
          %add3A_275 = arith.constant 16 : i32
          %add3A_276 = arith.addi %add3A_219, %add3A_275 : i32
          %get3A_277 = arith.index_cast %add3A_276 : i32 to index
          %get3A_278 = arith.constant 32 : index
          %get3A_279 = tpu.vector_load %arg11[%get3A_277, %get3A_278] {strides = array<i32>} : memref<576x96xf32, #tpu.memory_space<vmem>>, vector<16xf32>,
          %add3A_280 = arith.constant 32 : i32
          %add3A_281 = arith.addi %add3A_219, %add3A_280 : i32
          %get3A_282 = arith.index_cast %add3A_281 : i32 to index
          %get3A_283 = arith.constant 32 : index
          %get3A_284 = tpu.vector_load %arg11[%get3A_282, %get3A_283] {strides = array<i32>} : memref<576x96xf32, #tpu.memory_space<vmem>>, vector<16xf32>,
          %add3A_285 = arith.constant 48 : i32
          %add3A_286 = arith.addi %add3A_219, %add3A_285 : i32
          %get3A_287 = arith.index_cast %add3A_286 : i32 to index
          %get3A_288 = arith.constant 32 : index
          %get3A_289 = tpu.vector_load %arg11[%get3A_287, %get3A_288] {strides = array<i32>} : memref<576x96xf32, #tpu.memory_space<vmem>>, vector<16xf32>,
          %mul3A_290 = arith.mulf %get3A_274, %gather3A_209 : vector<16xf32>
          %mul3A_291 = arith.mulf %get3A_279, %gather3A_212 : vector<16xf32>
          %add3A_292 = arith.addf %mul3A_290, %mul3A_291 : vector<16xf32>
          %mul3A_293 = arith.mulf %get3A_284, %gather3A_215 : vector<16xf32>
          %add3A_294 = arith.addf %add3A_292, %mul3A_293 : vector<16xf32>
          %mul3A_295 = arith.mulf %get3A_289, %gather3A_218 : vector<16xf32>
          %add3A_296 = arith.addf %add3A_294, %mul3A_295 : vector<16xf32>
          tpu.vector_store_idx %arg12[%add3A_11, %broadcast_in_dim3A_221], %add3A_296 : memref<96x145xf32, #tpu.memory_space<vmem>>[vector<16xi32>, vector<16xi32>], vector<16xf32>,
          %get3A_297 = arith.index_cast %add3A_219 : i32 to index
          %get3A_298 = arith.constant 48 : index
          %get3A_299 = tpu.vector_load %arg11[%get3A_297, %get3A_298] {strides = array<i32>} : memref<576x96xf32, #tpu.memory_space<vmem>>, vector<16xf32>,
          %add3A_300 = arith.constant 16 : i32
          %add3A_301 = arith.addi %add3A_219, %add3A_300 : i32
          %get3A_302 = arith.index_cast %add3A_301 : i32 to index
          %get3A_303 = arith.constant 48 : index
          %get3A_304 = tpu.vector_load %arg11[%get3A_302, %get3A_303] {strides = array<i32>} : memref<576x96xf32, #tpu.memory_space<vmem>>, vector<16xf32>,
          %add3A_305 = arith.constant 32 : i32
          %add3A_306 = arith.addi %add3A_219, %add3A_305 : i32
          %get3A_307 = arith.index_cast %add3A_306 : i32 to index
          %get3A_308 = arith.constant 48 : index
          %get3A_309 = tpu.vector_load %arg11[%get3A_307, %get3A_308] {strides = array<i32>} : memref<576x96xf32, #tpu.memory_space<vmem>>, vector<16xf32>,
          %add3A_310 = arith.constant 48 : i32
          %add3A_311 = arith.addi %add3A_219, %add3A_310 : i32
          %get3A_312 = arith.index_cast %add3A_311 : i32 to index
          %get3A_313 = arith.constant 48 : index
          %get3A_314 = tpu.vector_load %arg11[%get3A_312, %get3A_313] {strides = array<i32>} : memref<576x96xf32, #tpu.memory_space<vmem>>, vector<16xf32>,
          %mul3A_315 = arith.mulf %get3A_299, %gather3A_209 : vector<16xf32>
          %mul3A_316 = arith.mulf %get3A_304, %gather3A_212 : vector<16xf32>
          %add3A_317 = arith.addf %mul3A_315, %mul3A_316 : vector<16xf32>
          %mul3A_318 = arith.mulf %get3A_309, %gather3A_215 : vector<16xf32>
          %add3A_319 = arith.addf %add3A_317, %mul3A_318 : vector<16xf32>
          %mul3A_320 = arith.mulf %get3A_314, %gather3A_218 : vector<16xf32>
          %add3A_321 = arith.addf %add3A_319, %mul3A_320 : vector<16xf32>
          tpu.vector_store_idx %arg12[%add3A_14, %broadcast_in_dim3A_221], %add3A_321 : memref<96x145xf32, #tpu.memory_space<vmem>>[vector<16xi32>, vector<16xi32>], vector<16xf32>,
          %get3A_322 = arith.index_cast %add3A_219 : i32 to index
          %get3A_323 = arith.constant 64 : index
          %get3A_324 = tpu.vector_load %arg11[%get3A_322, %get3A_323] {strides = array<i32>} : memref<576x96xf32, #tpu.memory_space<vmem>>, vector<16xf32>,
          %add3A_325 = arith.constant 16 : i32
          %add3A_326 = arith.addi %add3A_219, %add3A_325 : i32
          %get3A_327 = arith.index_cast %add3A_326 : i32 to index
          %get3A_328 = arith.constant 64 : index
          %get3A_329 = tpu.vector_load %arg11[%get3A_327, %get3A_328] {strides = array<i32>} : memref<576x96xf32, #tpu.memory_space<vmem>>, vector<16xf32>,
          %add3A_330 = arith.constant 32 : i32
          %add3A_331 = arith.addi %add3A_219, %add3A_330 : i32
          %get3A_332 = arith.index_cast %add3A_331 : i32 to index
          %get3A_333 = arith.constant 64 : index
          %get3A_334 = tpu.vector_load %arg11[%get3A_332, %get3A_333] {strides = array<i32>} : memref<576x96xf32, #tpu.memory_space<vmem>>, vector<16xf32>,
          %add3A_335 = arith.constant 48 : i32
          %add3A_336 = arith.addi %add3A_219, %add3A_335 : i32
          %get3A_337 = arith.index_cast %add3A_336 : i32 to index
          %get3A_338 = arith.constant 64 : index
          %get3A_339 = tpu.vector_load %arg11[%get3A_337, %get3A_338] {strides = array<i32>} : memref<576x96xf32, #tpu.memory_space<vmem>>, vector<16xf32>,
          %mul3A_340 = arith.mulf %get3A_324, %gather3A_209 : vector<16xf32>
          %mul3A_341 = arith.mulf %get3A_329, %gather3A_212 : vector<16xf32>
          %add3A_342 = arith.addf %mul3A_340, %mul3A_341 : vector<16xf32>
          %mul3A_343 = arith.mulf %get3A_334, %gather3A_215 : vector<16xf32>
          %add3A_344 = arith.addf %add3A_342, %mul3A_343 : vector<16xf32>
          %mul3A_345 = arith.mulf %get3A_339, %gather3A_218 : vector<16xf32>
          %add3A_346 = arith.addf %add3A_344, %mul3A_345 : vector<16xf32>
          tpu.vector_store_idx %arg12[%add3A_17, %broadcast_in_dim3A_221], %add3A_346 : memref<96x145xf32, #tpu.memory_space<vmem>>[vector<16xi32>, vector<16xi32>], vector<16xf32>,
          %get3A_347 = arith.index_cast %add3A_219 : i32 to index
          %get3A_348 = arith.constant 80 : index
          %get3A_349 = tpu.vector_load %arg11[%get3A_347, %get3A_348] {strides = array<i32>} : memref<576x96xf32, #tpu.memory_space<vmem>>, vector<16xf32>,
          %add3A_350 = arith.constant 16 : i32
          %add3A_351 = arith.addi %add3A_219, %add3A_350 : i32
          %get3A_352 = arith.index_cast %add3A_351 : i32 to index
          %get3A_353 = arith.constant 80 : index
          %get3A_354 = tpu.vector_load %arg11[%get3A_352, %get3A_353] {strides = array<i32>} : memref<576x96xf32, #tpu.memory_space<vmem>>, vector<16xf32>,
          %add3A_355 = arith.constant 32 : i32
          %add3A_356 = arith.addi %add3A_219, %add3A_355 : i32
          %get3A_357 = arith.index_cast %add3A_356 : i32 to index
          %get3A_358 = arith.constant 80 : index
          %get3A_359 = tpu.vector_load %arg11[%get3A_357, %get3A_358] {strides = array<i32>} : memref<576x96xf32, #tpu.memory_space<vmem>>, vector<16xf32>,
          %add3A_360 = arith.constant 48 : i32
          %add3A_361 = arith.addi %add3A_219, %add3A_360 : i32
          %get3A_362 = arith.index_cast %add3A_361 : i32 to index
          %get3A_363 = arith.constant 80 : index
          %get3A_364 = tpu.vector_load %arg11[%get3A_362, %get3A_363] {strides = array<i32>} : memref<576x96xf32, #tpu.memory_space<vmem>>, vector<16xf32>,
          %mul3A_365 = arith.mulf %get3A_349, %gather3A_209 : vector<16xf32>
          %mul3A_366 = arith.mulf %get3A_354, %gather3A_212 : vector<16xf32>
          %add3A_367 = arith.addf %mul3A_365, %mul3A_366 : vector<16xf32>
          %mul3A_368 = arith.mulf %get3A_359, %gather3A_215 : vector<16xf32>
          %add3A_369 = arith.addf %add3A_367, %mul3A_368 : vector<16xf32>
          %mul3A_370 = arith.mulf %get3A_364, %gather3A_218 : vector<16xf32>
          %add3A_371 = arith.addf %add3A_369, %mul3A_370 : vector<16xf32>
          tpu.vector_store_idx %arg12[%add3A_20, %broadcast_in_dim3A_221], %add3A_371 : memref<96x145xf32, #tpu.memory_space<vmem>>[vector<16xi32>, vector<16xi32>], vector<16xf32>,
        }
        %scan3A_205 = arith.constant 16 : i32
      }
      %scan3A_164 = arith.constant 9 : i32
      %add3A_165 = arith.addi %mul3A_2, %add3A_158 : i32
      %lt3A_166 = arith.constant 1000 : i32
      %lt3A_167 = arith.cmpi slt, %add3A_165, %lt3A_166 : i32
      %convert_element_type3A_168 = arith.extui %lt3A_167 : i1 to i32
      %cond3A_169 = arith.constant 0 : i32
      %cond3A_170 = arith.cmpi ne, %convert_element_type3A_168, %cond3A_169 : i32
      scf.if %cond3A_170 {
        "tpu.region"() ({
          %run_scoped3A = tpu.sem_alloc : memref<!tpu.dma_semaphore, #tpu.memory_space<semaphore_mem>>
          %dma_start3A_171 = arith.constant 0 : i32
          %dma_start3A_172 = arith.constant 0 : i32
          %dma_start3A_173 = tpu.memref_slice %arg12[%dma_start3A_171, %dma_start3A_172] : memref<96x145xf32, #tpu.memory_space<vmem>> -> memref<96x144xf32, #tpu.memory_space<vmem>>
          %dma_start3A_174 = arith.constant 0 : i32
          %dma_start3A_175 = arith.constant 0 : i32
          %dma_start3A_176 = tpu.memref_slice %arg4[%add3A_165, %dma_start3A_174, %dma_start3A_175] : memref<1000x96x144xf32, #tpu.memory_space<hbm>> -> memref<1x96x144xf32, #tpu.memory_space<hbm>>
          %dma_start3A_177 = tpu.memref_squeeze %dma_start3A_176 : memref<1x96x144xf32, #tpu.memory_space<hbm>> -> memref<96x144xf32, #tpu.memory_space<hbm>>
          %dma_start3A_178 = arith.constant 0 : i32
          %dma_start3A_179 = arith.constant 0 : i32
          %dma_start3A_180 = tpu.memref_slice %arg4[%add3A_165, %dma_start3A_178, %dma_start3A_179] : memref<1000x96x144xf32, #tpu.memory_space<hbm>> -> memref<1x96x144xf32, #tpu.memory_space<hbm>>
          %dma_start3A_181 = tpu.memref_squeeze %dma_start3A_180 : memref<1x96x144xf32, #tpu.memory_space<hbm>> -> memref<96x144xf32, #tpu.memory_space<hbm>>
          %dma_start3A_182 = arith.constant 0 : i32
          %dma_start3A_183 = arith.constant 0 : i32
          %dma_start3A_184 = tpu.memref_slice %arg12[%dma_start3A_182, %dma_start3A_183] : memref<96x145xf32, #tpu.memory_space<vmem>> -> memref<96x144xf32, #tpu.memory_space<vmem>>
          tpu.enqueue_dma source(%dma_start3A_184 : memref<96x144xf32, #tpu.memory_space<vmem>>) target(%dma_start3A_181 : memref<96x144xf32, #tpu.memory_space<hbm>>) target_semaphore(%run_scoped3A : memref<!tpu.dma_semaphore, #tpu.memory_space<semaphore_mem>>)
          %dma_wait3A_185 = arith.constant 0 : i32
          %dma_wait3A_186 = arith.constant 0 : i32
          %dma_wait3A_187 = tpu.memref_slice %arg12[%dma_wait3A_185, %dma_wait3A_186] : memref<96x145xf32, #tpu.memory_space<vmem>> -> memref<96x144xf32, #tpu.memory_space<vmem>>
          %dma_wait3A_188 = arith.constant 0 : i32
          %dma_wait3A_189 = arith.constant 0 : i32
          %dma_wait3A_190 = tpu.memref_slice %arg4[%add3A_165, %dma_wait3A_188, %dma_wait3A_189] : memref<1000x96x144xf32, #tpu.memory_space<hbm>> -> memref<1x96x144xf32, #tpu.memory_space<hbm>>
          %dma_wait3A_191 = tpu.memref_squeeze %dma_wait3A_190 : memref<1x96x144xf32, #tpu.memory_space<hbm>> -> memref<96x144xf32, #tpu.memory_space<hbm>>
          %dma_wait3A_192 = arith.constant 0 : i32
          %dma_wait3A_193 = arith.constant 0 : i32
          %dma_wait3A_194 = tpu.memref_slice %arg4[%add3A_165, %dma_wait3A_192, %dma_wait3A_193] : memref<1000x96x144xf32, #tpu.memory_space<hbm>> -> memref<1x96x144xf32, #tpu.memory_space<hbm>>
          %dma_wait3A_195 = tpu.memref_squeeze %dma_wait3A_194 : memref<1x96x144xf32, #tpu.memory_space<hbm>> -> memref<96x144xf32, #tpu.memory_space<hbm>>
          %dma_wait3A_196 = arith.constant 0 : i32
          %dma_wait3A_197 = arith.constant 0 : i32
          %dma_wait3A_198 = tpu.memref_slice %arg12[%dma_wait3A_196, %dma_wait3A_197] : memref<96x145xf32, #tpu.memory_space<vmem>> -> memref<96x144xf32, #tpu.memory_space<vmem>>
          tpu.wait_dma2 semaphore(%run_scoped3A : memref<!tpu.dma_semaphore, #tpu.memory_space<semaphore_mem>>) src(%dma_wait3A_198 : memref<96x144xf32, #tpu.memory_space<vmem>>) dst(%dma_wait3A_195 : memref<96x144xf32, #tpu.memory_space<hbm>>)
          tpu.yield
        }) : () -> ()
      } else {
      }
    }
    %scan3A_57 = arith.constant 16 : i32
    return
  }
}

module attributes {stable_mosaic.version = 14 : i64} {
  func.func @_tr_body(%arg0: i32, %arg1: memref<1x96x8x512xf32, #tpu.memory_space<vmem>>, %arg2: memref<4096x96xf32, #tpu.memory_space<vmem>>) attributes {dimension_semantics = [#tpu.dimension_semantics<arbitrary>], iteration_bounds = array<i64: 64>, scalar_prefetch = 0 : i64, scratch_operands = 0 : i64, tpu.core_type = #tpu.core_type<tc>, window_params = [{transform_indices = @transform_0, window_bounds = array<i64: 1, 96, 8, 512>}, {transform_indices = @transform_1, window_bounds = array<i64: 4096, 96>}]} {
    %get3A = arith.constant 0 : index
    %get3A_0 = arith.constant 0 : index
    %get3A_1 = arith.constant 0 : index
    %get3A_2 = arith.constant 0 : index
    %get3A_3 = vector.load %arg1[%get3A, %get3A_0, %get3A_1, %get3A_2] : memref<1x96x8x512xf32, #tpu.memory_space<vmem>>, vector<1x96x8x512xf32>
    %get3A_4 = vector.shape_cast %get3A_3 : vector<1x96x8x512xf32> to vector<96x8x512xf32>
    %transpose3A = tpu.transpose %get3A_4, [1, 2, 0] : vector<96x8x512xf32> -> vector<8x512x96xf32>
    %reshape3A = vector.shape_cast %transpose3A : vector<8x512x96xf32> to vector<4096x96xf32>
    %swap3A = arith.constant 0 : index
    %swap3A_5 = arith.constant 0 : index
    %swap3A_6 = vector.load %arg2[%swap3A, %swap3A_5] : memref<4096x96xf32, #tpu.memory_space<vmem>>, vector<4096x96xf32>
    tpu.vector_store %arg2[%swap3A, %swap3A_5], %reshape3A {strides = array<i32>} : memref<4096x96xf32, #tpu.memory_space<vmem>>, vector<4096x96xf32>,
    return
  }
  func.func @transform_0(%arg0: i32) -> (i32, i32, i32, i32) {
    %c0_i32 = arith.constant 0 : i32
    %c0_i32_0 = arith.constant 0 : i32
    %c0_i32_1 = arith.constant 0 : i32
    %c0_i32_2 = arith.constant 0 : i32
    return %c0_i32, %c0_i32_0, %arg0, %c0_i32_1 : i32, i32, i32, i32
  }
  func.func @transform_1(%arg0: i32) -> (i32, i32) {
    %c0_i32 = arith.constant 0 : i32
    %c0_i32_0 = arith.constant 0 : i32
    return %arg0, %c0_i32 : i32, i32
  }
}

</mosaic_0001>

<sc_bundles>
// kernel: _roialign_sc.4.cloned.1.call-start
scs
__scs_entry_jumppad:
0x0: {  	(pc) =	sbr.rel $0x88, $3  }
0x1: {  	(tag) =	ssettag $0x0;
	lr =	simm.s32 $0x1  }
0x2: {  	[smem:$0x3F9F] =	sst lr;
	_ =	strace $0xD0000000  }
0x3: {  	_ = 	snop  }
0x4: {  	_ = 	snop  }
0x5: {  	_ = 	snop  }
0x6: {  	_ = 	snop  }
0x7: {  	_ = 	snop  }
__scs_overlays_trampoline_lowered:
0x8: {  	[smem:$0x3FAE] =	sst s0  }
0x9: {  	[smem:$0x3FAF] =	sst s1  }
0xa: {  	[smem:$0x3FB0] =	sst s2  }
0xb: {  	[smem:$0x3FB1] =	sst s3  }
0xc: {  	[smem:$0x3FB2] =	sst s4  }
0xd: {  	[smem:$0x3FB3] =	sst s5  }
0xe: {  	[smem:$0x3FB4] =	sst s6  }
0xf: {  	[smem:$0x3FB5] =	sst s7  }
0x10: {  	[smem:$0x3FB6] =	sst s8  }
0x11: {  	[smem:$0x3FB7] =	sst s9;
	s0 =	simm.s32 @!p0 $0x0  }
0x12: {  	s1 =	sld [smem:$0x3F9D];
	s0 =	simm.s32 @p0 $0x1  }
0x13: {  	[smem:$0x3FB8] =	sst s0;
	s0 =	simm.s32 @!p1 $0x0  }
0x14: {  	s2 =	sld [smem:$0x3F9C];
	s0 =	simm.s32 @p1 $0x1  }
0x15: {  	[smem:$0x3FB9] =	sst s0;
	s0 =	simm.s32 @!p2 $0x0  }
0x16: {  	s3 =	sld [smem:$0x3FDB];
	s0 =	simm.s32 @p2 $0x1  }
0x17: {  	s4 =	simm.s32 $0x1BF5;
	[smem:$0x3FBB] =	sst s0  }
0x18: {  	s0 =	sld [smem:$0x3F9E];
	_ =	swait.ge [sflag:s4], $0x0  }
0x19: {  	s7 =	sld [smem:$0x3F9F]  }
0x1a: {  	s8 =	sadd.s32 $0xFFFFE003, lr  }
0x1b: {  	s9 =	sadd.s32 $0xFFFFFEF7, lr;
	s5 =	simm.s32 $0xFFFFFFFF;
	p2 =	slt.u32 s8, $0xFFFFF086  }
0x1c: {  	p1 =	slt.u32 s9, $0xF7A;
	s5 =	simm.s32 @!p2 $0x0  }
0x1d: {  	s5 =	simm.s32 @p1 $0x1;
	p0 =	seq.s32 s7, s2  }
0x1e: {  	s7 =	smul.u32 @!p0 $0xF7A, s2;
	p2 =	seq.s32 @!p0 s5, $0x0  }
0x1f: {  	s9 =	smul.u32 $0xF7A, s1;
	s8 =	simm.s32 @!p0 $0x1BF5;
	p2 =	por !p2, p0  }
0x20: {  	[sflag:s8] =	ssyncset.s32 @!p0 $0xFFFFF086;
	s6 =	sadd.s32 @!p0 s3, s7;
	s7 =	simm.s32 @!p0 $0x108  }
0x21: {  	s3 =	sadd.s32 s3, s9;
	s6 =	sadd.s32 @!p0 $0x88, s6;
	s7 =	simm.s32 @p2 $0x1082  }
0x22: {  	[simem:s7], [sflag:s8] =	dma.local @!p0 [hbm:s6], $0xF7A  }
0x23: {  	s9 =	sor.u32 $0xD0000000, s2;
	s6 =	simm.s32 $0x108;
	_ =	swait.ge @!p0 [sflag:s8], $0x0  }
0x24: {  	s3 =	sadd.s32 $0x88, s3;
	s6 =	simm.s32 @!p1 $0x1082;
	[sflag:s4] =	ssyncset.s32 $0xFFFFF086  }
0x25: {  	[simem:s6], [sflag:s4] =	dma.local [hbm:s3], $0xF7A  }
0x26: {  	[smem:$0x3F9F] =	sst s1;
	(tag) =	ssettag s2;
	_ =	strace s9  }
0x27: {  	s1 =	sld [smem:$0x3FAF]  }
0x28: {  	s2 =	sld [smem:$0x3FB0]  }
0x29: {  	s4 =	sld [smem:$0x3FB2]  }
0x2a: {  	p0 =	seq.s32 s5, $0x0;
	s5 =	sld [smem:$0x3FB3]  }
0x2b: {  	s6 =	sld [smem:$0x3FB4]  }
0x2c: {  	s7 =	sld [smem:$0x3FB5]  }
0x2d: {  	s3 =	simm.s32 $0x108;
	s8 =	sld [smem:$0x3FB6]  }
0x2e: {  	s3 =	simm.s32 @!p0 $0x1082;
	s9 =	sld [smem:$0x3FB7]  }
0x2f: {  	lr =	sadd.s32 s0, s3;
	s0 =	sld [smem:$0x3FAE]  }
0x30: {  	s3 =	sld [smem:$0x3FB1]  }
0x31: {  	[smem:$0x3FBA] =	sst s10  }
0x32: {  	s10 =	sld [smem:$0x3FB8];
	_ =	sdelay $0x3  }
0x33: {  	p0 =	seq.s32 s10, $0x1;
	s10 =	sld [smem:$0x3FBA];
	_ =	sdelay $0x3  }
0x34: {  	[smem:$0x3FBA] =	sst s10  }
0x35: {  	s10 =	sld [smem:$0x3FB9];
	_ =	sdelay $0x3  }
0x36: {  	p1 =	seq.s32 s10, $0x1;
	s10 =	sld [smem:$0x3FBA];
	_ =	sdelay $0x3  }
0x37: {  	[smem:$0x3FBA] =	sst s10  }
0x38: {  	s10 =	sld [smem:$0x3FBB]  }
0x39: {  	_ = 	snop;
	(pc) =	sbr.ind lr, $3  }
0x3a: {  	_ = 	snop  }
0x3b: {  	_ = 	snop  }
0x3c: {  	p2 =	seq.s32 s10, $0x1;
	s10 =	sld [smem:$0x3FBA]  }
0x3d: {  	_ =	shalt  }
0x3e: {  	_ =	shalt  }
0x3f: {  	_ =	shalt  }
0x40: {  	_ =	shalt  }
0x41: {  	_ =	shalt  }
0x42: {  	_ =	shalt  }
0x43: {  	_ =	shalt  }
0x44: {  	_ =	shalt  }
0x45: {  	_ =	shalt  }
0x46: {  	_ =	shalt  }
0x47: {  	_ =	shalt  }
0x48: {  	_ =	shalt  }
0x49: {  	_ =	shalt  }
0x4a: {  	_ =	shalt  }
0x4b: {  	_ =	shalt  }
0x4c: {  	_ =	shalt  }
0x4d: {  	_ =	shalt  }
0x4e: {  	_ =	shalt  }
0x4f: {  	_ =	shalt  }
0x50: {  	_ =	shalt  }
0x51: {  	_ =	shalt  }
0x52: {  	_ =	shalt  }
0x53: {  	_ =	shalt  }
0x54: {  	_ =	shalt  }
0x55: {  	_ =	shalt  }
0x56: {  	_ =	shalt  }
0x57: {  	_ =	shalt  }
0x58: {  	_ =	shalt  }
0x59: {  	_ =	shalt  }
0x5a: {  	_ =	shalt  }
0x5b: {  	_ =	shalt  }
0x5c: {  	_ =	shalt  }
0x5d: {  	_ =	shalt  }
0x5e: {  	_ =	shalt  }
0x5f: {  	_ =	shalt  }
0x60: {  	_ =	shalt  }
0x61: {  	_ =	shalt  }
0x62: {  	_ =	shalt  }
0x63: {  	_ =	shalt  }
0x64: {  	_ =	shalt  }
0x65: {  	_ =	shalt  }
0x66: {  	_ =	shalt  }
0x67: {  	_ =	shalt  }
0x68: {  	_ =	shalt  }
0x69: {  	_ =	shalt  }
0x6a: {  	_ =	shalt  }
0x6b: {  	_ =	shalt  }
0x6c: {  	_ =	shalt  }
0x6d: {  	_ =	shalt  }
0x6e: {  	_ =	shalt  }
0x6f: {  	_ =	shalt  }
0x70: {  	_ =	shalt  }
0x71: {  	_ =	shalt  }
0x72: {  	_ =	shalt  }
0x73: {  	_ =	shalt  }
0x74: {  	_ =	shalt  }
0x75: {  	_ =	shalt  }
0x76: {  	_ =	shalt  }
0x77: {  	_ =	shalt  }
0x78: {  	_ =	shalt  }
0x79: {  	_ =	shalt  }
0x7a: {  	_ =	shalt  }
0x7b: {  	_ =	shalt  }
0x7c: {  	_ =	shalt  }
0x7d: {  	_ =	shalt  }
0x7e: {  	_ =	shalt  }
0x7f: {  	_ =	shalt  }
0x80: {  	_ =	shalt  }
0x81: {  	_ =	shalt  }
0x82: {  	_ =	shalt  }
0x83: {  	_ =	shalt  }
0x84: {  	_ =	shalt  }
0x85: {  	_ =	shalt  }
0x86: {  	_ =	shalt  }
0x87: {  	_ =	shalt  }
.Lfunc_end0:
.L_simem_size_0:
called_computation.1_lowered:
.L_overlay_start_0:
0x88: {  	s2 =	sld [smem:$0x3FD9]  }
0x89: {  	s3 =	sld [smem:$0x3FFE];
	_ =	sdelay $0x1  }
0x8a: {  	s1 =	srdreg.scid  }
0x8b: {  	s0 =	sand.u32 $0x1, s1  }
0x8c: {  	s17 =	sshll.u32 s0, $0xA;
	s2 =	sadd.s32 s3, s2  }
0x8d: {  	s2 =	sadd.s32 s2, s17  }
0x8e: {  	[smem:$0x3FC6] =	sst s2  }
0x8f: {  	_ = 	snop  }
0x90: {  	s2 =	sld [smem:$0x3FD0];
	(tm) =	ssettm $0x1  }
0x91: {  	s18 =	sld [smem:$0x3FFB];
	_ =	sdelay $0x3  }
0x92: {  	_ =	strace s18  }
0x93: {  	s3 =	sld [smem:$0x3FFC];
	_ =	sdelay $0x3  }
0x94: {  	_ =	strace s3  }
0x95: {  	s3 =	sld [smem:$0x3FFD];
	_ =	sdelay $0x3  }
0x96: {  	_ =	strace s3  }
0x97: {  	_ =	strace $0x8FFFFFFF  }
0x98: {  	s19 =	sld [smem:$0x3FDB];
	_ =	sdelay $0x1  }
0x99: {  	s4 =	simm.s32 $_scs_section_size  }
0x9a: {  	s5 =	simm.s32 $_size__tile_overlayer_lowered;
	s6 =	simm.s32 $_tile_overlayer_lowered  }
0x9b: {  	s22 =	simm.s32 $0x1BFF;
	s21 =	sshll.u32 s6, $0x1;
	s3 =	sadd.s32 s4, s19  }
0x9c: {  	s7 =	simm.s32 $0x0;
	s20 =	sshll.u32 s5, $0x1;
	s5 =	sadd.s32 s21, s3  }
0x9d: {  	[timem:s7], [sflag:s22] =	dma.local [hbm:s5], s20  }
0x9e: {  	_ =	swait.ge [sflag:s22], s20  }
0x9f: {  	s4 =	ssub.s32 $0x0, s20;
	[sflag:s22] =	ssyncset.done $0x0  }
0xa0: {  	[sflag:s22] =	ssyncadd.s32 s4;
	_ =	sdelay $0x1  }
0xa1: {  	s23 =	simm.s32 $0x1B8B  }
0xa2: {  	_ =	swait.ge [sflag:s23], $0x1  }
0xa3: {  	[sflag:s23] =	ssyncset.done $0x0  }
0xa4: {  	s25 =	simm.s32 $0x1B8E;
	s24 =	sld [smem:$0x3FFE];
	[sflag:s23] =	ssyncadd.s32 $0xFFFFFFFF  }
0xa5: {  	s26 =	simm.s32 $execute0_lowered;
	[smem:$0x3FD2] =	sst s25  }
0xa6: {  	s5 =	sshll.u32 s26, $0x1;
	_ =	strace $0x80000046;
	[dreg:$0x1] =	wrdreg $0xFFFFFFFF  }
0xa7: {  	s28 =	simm.s32 $_size_execute0_lowered;
	s3 =	sadd.s32 s3, s5;
	[dreg:$0x0] =	wrdreg $0x0  }
0xa8: {  	s5 =	sshll.u32 s28, $0x1;
	[dreg:$0x2] =	wrdreg s3  }
0xa9: {  	[dreg:$0x3] =	wrdreg s5  }
0xaa: {  	[dreg:$0x4] =	wrdreg $0xC0  }
0xab: {  	_ =	task [dreg:s7], $0x5FFFF  }
0xac: {  	[dreg:$0x1] =	wrdreg $0xFFFFFFFF  }
0xad: {  	[dreg:$0x0] =	wrdreg $0x60  }
0xae: {  	[dreg:$0x2] =	wrdreg s24  }
0xaf: {  	[dreg:$0x3] =	wrdreg s2  }
0xb0: {  	[dreg:$0x4] =	wrdreg $0x9  }
0xb1: {  	_ =	task.clear_ibuf [dreg:s7], $0x5FFFF;
	_ =	strace $0x90000046  }
0xb2: {  	s29 =	simm.s32 $0x9;
	_ =	strace $0x80000048  }
0xb3: {  	_ =	swait.ge [sflag:s29], $0x1  }
0xb4: {  	[sflag:s29] =	ssyncadd.s32 $0xFFFFFFFF  }
0xb5: {  	_ =	strace $0x90000048  }
0xb6: {  	_ =	sfence  }
0xb7: {  	s30 =	sld [smem:$0x0];
	_ =	sdelay $0x2  }
0xb8: {  	s31 =	sshll.u32 s1, $0xD;
	s1 =	sshrl.u32 s1, $0x2  }
0xb9: {  	s3 =	sand.u32 $0x4000, s31;
	s1 =	sadd.s32 s1, s30  }
0xba: {  	s0 =	sor.u32 s3, s0;
	s1 =	sshll.u32 s1, $0x11  }
0xbb: {  	s0 =	sor.u32 s1, s0  }
0xbc: {  	s0 =	sadd.s32 $0x8F2B, s0  }
0xbd: {  	[sflag:s0] =	ssyncadd.remote.s32 $0x1  }
0xbe: {  	_ =	sfence.sel $0xFFFF  }
0xbf: {  	[dreg:$0x0] =	wrdreg $0xFFFFFFFF;
	(pc) =	sbr.abs _section_cstart, $3  }
0xc0: {  	[dreg:$0x1] =	wrdreg $0xFFFFFFFF  }
0xc1: {  	_ =	task.clear_ibuf [dreg:s7], $0x2FFFF;
	_ =	strace $0x9FFFFFFF  }
0xc2: {  	(tm) =	ssettm $0x7FFFFFFF  }
0xc3: {  	_ =	shalt  }
tec
execute0_lowered:
.L_overlay_start_1:
0x0: {  	(tag) =	ssettag $0x1  }
0x1: {  	s5 =	rddreg [dreg:$0x0]  }
0x2: {  	s1 =	rddreg [dreg:$0x1];
	s2 =	simm.s32 $0x0  }
0x3: {  	[smem:$0x7FF] =	sst s2  }
0x4: {  	s0 =	rddreg [dreg:$0x2];
	v0 =	vimm.f32 $1.200000000e+01;
	_ =	strace $0x80000047  }
0x5: {  	(erf) = vrcp.f32 v0  }
0x6: {  	s4 =	srdreg.scid;
	s3 =	stileid.u32  }
0x7: {  	s9 =	simm.s32 $0x240;
	s10 =	simm.s32 $0x200;
	s11 =	simm.s32 $0xB00  }
0x8: {  	s12 =	simm.s32 $0x440;
	s13 =	simm.s32 $0xE300;
	s14 =	simm.s32 $0x1  }
0x9: {  	s15 =	simm.s32 $0x1BB00;
	s16 =	simm.s32 $0x4;
	s6 =	sand.u32 $0x1, s4  }
.Ltmp0:
0xa: {  	s31 =	sshll.u32 s3, $0x6;
	s7 =	sshll.u32 s6, $0x5;
	v0 =	vlaneseq.u32;
	(pc) =	sbr.rel .LBB2_1-.Ltmp0, $4  }
0xb: {  	s17 =	simm.s32 $0x2;
	s6 =	ssub.s32 $0x2, s6;
	s4 =	sor.u32 s7, s31;
	v1 =	vmul.u32 $0x98, v0  }
0xc: {  	v2 =	vimm.s32 $0x1;
	v3 =	vimm.s32 $0x2;
	v4 =	vimm.s32 $0x3;
	s18 =	simm.s32 $0x0;
	s8 =	sshrl.u32 s6, $0x1;
	s7 =	sshll.u32 s4, $0x1  }
0xd: {  	v5 =	vimm.s32 $0x4;
	s8 =	ssub.s32 s6, s8;
	s7 =	sadd.s32 s7, s5;
	s5 =	sadd.s32 $0x400A00, s5;
	v6 =	vadd.s32 $0x980, v1;
	v7 =	vadd.s32 $0x1300, v1  }
0xe: {  	s6 =	sadd.s32 $0xA00, s7;
	s7 =	smax.u32 s8, $0x1;
	s8 =	simm.s32 $0x3;
	v9 =	vadd.s32 $0x1C80, v1;
	v10 =	vadd.s32 $0x2600, v1;
	v11 =	vadd.s32 $0x2F80, v1;
	v8 =	vpop (erf)  }
.LBB2_25:
0xf: {  	s18 =	sadd.s32 $0x1, s18  }
0x10: {  	p0 =	sne.s32 s18, s7  }
.Ltmp1:
0x11: {  	_ = 	snop;
	(pc) =	sbr.rel @!p0 .LBB2_26-.Ltmp1, $1  }
0x12: {  	_ =	sdelay $0x3  }
.LBB2_1:
0x13: {  	[tilespmem:s2], [sflag:$0x3] =	stream.linear.gather [hbm4b:s6+s2], $0x200, $0x38;
	[tilespmem:$0x1F400] =	vst v63  }
0x14: {  	_ =	swait.ge [sflag:s8], $0x200  }
0x15: {  	[sflag:s8] =	ssyncset.done $0x0  }
0x16: {  	[sflag:s8] =	ssyncadd.s32 $0xFFFFFE00  }
0x17: {  	v14 =	vld [tilespmem:$0x0];
	_ =	sdelay $0x2  }
0x18: {  	v15 =	vor.u32 s2, v0  }
0x19: {  	v13 =	vmulhi.u32 $0xAAAAAAAB, v15  }
0x1a: {  	v12 =	vperm.xlane v14, v3;
	v16 =	vperm.xlane v14, v5  }
0x1b: {  	v13 =	vshrl.u32 v13, $0x3  }
0x1c: {  	v17 =	vmul.u32 $0xFFFFFFF4, v13;
	v18 =	vcvt.s32.f32 v13;
	v16 =	vsub.f32 v16, v12  }
0x1d: {  	v13 =	vperm.xlane v14, v2;
	v19 =	vperm.xlane v14, v4  }
0x1e: {  	v15 =	vadd.s32 v15, v17;
	v14 =	vmul.f32 v16, v8;
	v16 =	vadd.f32 $5.000000000e-01, v18  }
0x1f: {  	v17 =	vsub.f32 v19, v13;
	v18 =	vcvt.s32.f32 v15  }
0x20: {  	v16 =	vmul.f32 v16, v14  }
0x21: {  	v15 =	vmul.f32 v17, v8;
	v17 =	vadd.f32 $5.000000000e-01, v18  }
0x22: {  	v16 =	vadd.f32 v16, v12  }
0x23: {  	v17 =	vmul.f32 v17, v15  }
0x24: {  	v18 =	vtrunc.f32 v16  }
0x25: {  	v19 =	vadd.f32 v17, v13;
	v17 =	vcvt.f32.s32 v18  }
0x26: {  	s19 =	simm.s32 $0x10  }
0x27: {  	v18 =	vor.u32 s19, v0;
	v20 =	vtrunc.f32 v19;
	v21 =	vcvt.s32.f32 v17  }
0x28: {  	v22 =	vmulhi.u32 $0xAAAAAAAB, v18;
	v20 =	vcvt.f32.s32 v20;
	vm0 =	vgt.s32 v17, $0x0  }
0x29: {  	v16 =	vsub.f32 v16, v21;
	v21 =	vnsel vm0, $0x0, v17  }
0x2a: {  	v17 =	vshrl.u32 v22, $0x3;
	v22 =	vcvt.s32.f32 v20;
	vm15 =	vgt.s32 v20, $0x0  }
0x2b: {  	v23 =	vmin.u32 v21, $0x1FF;
	v24 =	vmul.u32 $0xFFFFFFF4, v17;
	v25 =	vcvt.s32.f32 v17  }
0x2c: {  	v21 =	vmin.u32 v21, $0x1FE;
	v17 =	vshll.u32 v23, $0x9;
	v19 =	vsub.f32 v19, v22  }
0x2d: {  	v18 =	vadd.s32 v18, v24;
	v22 =	vadd.f32 $5.000000000e-01, v25;
	v25 =	vnsel vm15, $0x0, v20  }
0x2e: {  	v24 =	vsub.f32 $1.000000000e+00, v16;
	v18 =	vcvt.s32.f32 v18;
	v27 =	vsub.f32 $1.000000000e+00, v19  }
0x2f: {  	v20 =	vshll.u32 v21, $0x9;
	v28 =	vmin.u32 v25, $0x1FE;
	v23 =	vmul.f32 v22, v14  }
0x30: {  	s20 =	simm.s32 $0x220;
	s24 =	simm.s32 $0x20;
	v22 =	vadd.s32 $0x200, v20;
	v26 =	vadd.f32 $5.000000000e-01, v18;
	v20 =	vmul.f32 v27, v24  }
0x31: {  	s22 =	simm.s32 $0x220;
	s21 =	simm.s32 $0x7A0;
	s19 =	simm.s32 $0x7A0;
	v18 =	vmul.f32 v27, v16;
	v21 =	vadd.f32 v23, v12;
	v23 =	vadd.s32 $0x1, v28  }
.LBB2_2:
0x32: {  	s20 =	sadd.s32 $0x40, s20  }
0x33: {  	v26 =	vmul.f32 v26, v15;
	v25 =	vmin.u32 v25, $0x1FF;
	v24 =	vmul.f32 v19, v24;
	s19 =	sadd.s32 $0x10, s19;
	s25 =	smov.u32 s24;
	s23 =	sadd.s32 $0x10, s24  }
0x34: {  	p0 =	sne.s32 s24, $0x80;
	v19 =	vmul.f32 v19, v16;
	v27 =	vtrunc.f32 v21;
	v28 =	vor.u32 v17, v25  }
0x35: {  	v16 =	vor.u32 v25, v22;
	v26 =	vadd.f32 v26, v13;
	v27 =	vcvt.f32.s32 v27;
	[tilespmem:s22+$0xFFFFFFE0] =	vst v28  }
0x36: {  	v17 =	vadd.s32 v17, v23;
	[tilespmem:s22+$0x0] =	vst v16;
	v16 =	vadd.s32 v22, v23  }
0x37: {  	v22 =	vor.u32 s25, v0;
	v23 =	vtrunc.f32 v26;
	v25 =	vcvt.s32.f32 v27;
	[tilespmem:s22+$0x10] =	vst v16  }
0x38: {  	v28 =	vmulhi.u32 $0xAAAAAAAB, v22;
	vm0 =	vgt.s32 v27, $0x0;
	v23 =	vcvt.f32.s32 v23;
	[tilespmem:s22+$0xFFFFFFF0] =	vst v17;
	s22 =	smov.u32 s20  }
0x39: {  	v16 =	vsub.f32 v21, v25;
	v21 =	vnsel vm0, $0x0, v27;
	[tilespmem:s21+$0xFFFFFEE0] =	vst v20  }
0x3a: {  	v17 =	vshrl.u32 v28, $0x3;
	v20 =	vcvt.s32.f32 v23;
	v25 =	vmin.u32 v21, $0x1FF;
	[tilespmem:s21+$0x90] =	vst v19  }
0x3b: {  	v27 =	vmul.u32 $0xFFFFFFF4, v17;
	v28 =	vcvt.s32.f32 v17;
	v17 =	vshll.u32 v25, $0x9;
	[tilespmem:s21+$0x0] =	vst v18  }
0x3c: {  	vm0 =	vgt.s32 v23, $0x0;
	v18 =	vmin.u32 v21, $0x1FE;
	v19 =	vsub.f32 v26, v20;
	[tilespmem:s21+$0xFFFFFF70] =	vst v24;
	s21 =	smov.u32 s19  }
.Ltmp2:
0x3d: {  	v25 =	vnsel vm0, $0x0, v23;
	v20 =	vadd.s32 v22, v27;
	v21 =	vadd.f32 $5.000000000e-01, v28;
	(pc) =	sbr.rel @p0 .LBB2_2-.Ltmp2, $4  }
0x3e: {  	v24 =	vsub.f32 $1.000000000e+00, v16;
	v20 =	vcvt.s32.f32 v20;
	v27 =	vsub.f32 $1.000000000e+00, v19  }
0x3f: {  	v23 =	vmin.u32 v25, $0x1FE;
	v18 =	vshll.u32 v18, $0x9;
	v21 =	vmul.f32 v21, v14  }
0x40: {  	v22 =	vadd.s32 $0x200, v18;
	v26 =	vadd.f32 $5.000000000e-01, v20;
	v20 =	vmul.f32 v27, v24  }
0x41: {  	s24 =	smov.u32 s23;
	v23 =	vadd.s32 $0x1, v23;
	v21 =	vadd.f32 v21, v12;
	v18 =	vmul.f32 v27, v16  }
0x42: {  	v12 =	vmul.f32 v26, v15;
	_ =	sdelay $0x1  }
0x43: {  	v49 =	vadd.s32 v22, v23;
	v45 =	vtrunc.f32 v21;
	v12 =	vadd.f32 v12, v13  }
0x44: {  	v14 =	vmin.u32 v25, $0x1FF;
	v50 =	vadd.s32 v17, v23;
	[tilespmem:s22+$0x10] =	vst v49;
	v15 =	vcvt.f32.s32 v45  }
0x45: {  	v46 =	vor.u32 v17, v14;
	v47 =	vor.u32 v14, v22;
	[tilespmem:s22+$0xFFFFFFF0] =	vst v50;
	v48 =	vtrunc.f32 v12  }
0x46: {  	[tilespmem:s22+$0xFFFFFFE0] =	vst v46;
	vm0 =	vgt.s32 v15, $0x0;
	v51 =	vcvt.s32.f32 v15;
	v14 =	vcvt.f32.s32 v48  }
0x47: {  	v24 =	vmul.f32 v19, v24;
	v53 =	vmul.f32 v19, v16;
	[tilespmem:s22+$0x0] =	vst v47;
	v52 =	vnsel vm0, $0x0, v15  }
0x48: {  	[tilespmem:s21+$0xFFFFFEE0] =	vst v20;
	v55 =	vmin.u32 v52, $0x1FF;
	v56 =	vsub.f32 v21, v51;
	vm15 =	vgt.s32 v14, $0x0  }
0x49: {  	[tilespmem:s21+$0x90] =	vst v53;
	v13 =	vmin.u32 v52, $0x1FE;
	v54 =	vcvt.s32.f32 v14;
	v14 =	vnsel vm15, $0x0, v14  }
0x4a: {  	[tilespmem:s21+$0x0] =	vst v18;
	v17 =	vshll.u32 v55, $0x9;
	v13 =	vshll.u32 v13, $0x9;
	v58 =	vmin.u32 v14, $0x1FF  }
0x4b: {  	s20 =	sadd.s32 $0x40, s20;
	[tilespmem:s21+$0xFFFFFF70] =	vst v24;
	v13 =	vadd.s32 $0x200, v13;
	v14 =	vmin.u32 v14, $0x1FE;
	v59 =	vor.u32 v17, v58  }
0x4c: {  	v12 =	vsub.f32 v12, v54;
	v14 =	vadd.s32 $0x1, v14;
	v16 =	vor.u32 v58, v13;
	[tilespmem:s20+$0xFFFFFFE0] =	vst v59  }
0x4d: {  	v57 =	vsub.f32 $1.000000000e+00, v56;
	[tilespmem:s20+$0x0] =	vst v16;
	v13 =	vadd.s32 v13, v14  }
0x4e: {  	v60 =	vsub.f32 $1.000000000e+00, v12;
	v14 =	vadd.s32 v17, v14;
	v62 =	vmul.f32 v12, v56;
	[tilespmem:s20+$0x10] =	vst v13  }
0x4f: {  	s19 =	sadd.s32 $0x10, s19;
	v12 =	vmul.f32 v12, v57;
	[tilespmem:s20+$0xFFFFFFF0] =	vst v14  }
.Ltmp3:
0x50: {  	v61 =	vmul.f32 v60, v57;
	[tilespmem:s19+$0x90] =	vst v62;
	(pc) =	sbr.rel .LBB2_4-.Ltmp3, $4  }
0x51: {  	v63 =	vmul.f32 v60, v56;
	[tilespmem:s19+$0xFFFFFF70] =	vst v12  }
0x52: {  	[tilespmem:s19+$0xFFFFFEE0] =	vst v61  }
0x53: {  	s20 =	simm.s32 $0x0;
	[tilespmem:s19+$0x0] =	vst v63;
	s19 =	simm.s32 $0x0  }
0x54: {  	[tilespmem:s11], [sflag:$0x1] =	stream.indirect.gather [hbm4b:s5+s9], $0x60, s10, s9, $0xb8;
	[tilespmem:$0x1F400] =	vst v63  }
.LBB2_24:
0x55: {  	s20 =	sadd.s32 $0x1, s20  }
0x56: {  	p0 =	sne.s32 s20, $0x10  }
.Ltmp4:
0x57: {  	_ = 	snop;
	(pc) =	sbr.rel @!p0 .LBB2_25-.Ltmp4, $1  }
0x58: {  	_ =	sdelay $0x3  }
.LBB2_4:
0x59: {  	s21 =	sshllo.u32 s20, $0x1  }
0x5a: {  	s22 =	sshll.u32 s21, $0x4  }
0x5b: {  	s22 =	sand.u32 $0x3FFFFFF0, s22  }
0x5c: {  	v14 =	vld [tilespmem:s22+$0x0];
	_ =	sdelay $0x2  }
0x5d: {  	v15 =	vor.u32 s19, v0  }
0x5e: {  	v13 =	vmulhi.u32 $0xAAAAAAAB, v15  }
0x5f: {  	v12 =	vperm.xlane v14, v3;
	v16 =	vperm.xlane v14, v5  }
0x60: {  	v13 =	vshrl.u32 v13, $0x3  }
0x61: {  	v17 =	vmul.u32 $0xFFFFFFF4, v13;
	v18 =	vcvt.s32.f32 v13;
	v16 =	vsub.f32 v16, v12  }
0x62: {  	v13 =	vperm.xlane v14, v2;
	v19 =	vperm.xlane v14, v4  }
0x63: {  	v15 =	vadd.s32 v15, v17;
	v14 =	vmul.f32 v16, v8;
	v16 =	vadd.f32 $5.000000000e-01, v18  }
0x64: {  	v17 =	vsub.f32 v19, v13;
	v18 =	vcvt.s32.f32 v15  }
0x65: {  	v16 =	vmul.f32 v16, v14  }
0x66: {  	v15 =	vmul.f32 v17, v8;
	v17 =	vadd.f32 $5.000000000e-01, v18  }
0x67: {  	v16 =	vadd.f32 v16, v12  }
0x68: {  	v17 =	vmul.f32 v17, v15  }
0x69: {  	v18 =	vtrunc.f32 v16  }
0x6a: {  	v19 =	vadd.f32 v17, v13;
	v17 =	vcvt.f32.s32 v18  }
0x6b: {  	s31 =	simm.s32 $0x10  }
0x6c: {  	v18 =	vor.u32 s31, v0;
	v20 =	vtrunc.f32 v19;
	v21 =	vcvt.s32.f32 v17  }
0x6d: {  	v22 =	vmulhi.u32 $0xAAAAAAAB, v18;
	v20 =	vcvt.f32.s32 v20;
	vm0 =	vgt.s32 v17, $0x0  }
0x6e: {  	v16 =	vsub.f32 v16, v21;
	v21 =	vnsel vm0, $0x0, v17  }
0x6f: {  	v17 =	vshrl.u32 v22, $0x3;
	v22 =	vcvt.s32.f32 v20;
	vm15 =	vgt.s32 v20, $0x0  }
0x70: {  	v23 =	vmin.u32 v21, $0x1FF;
	v24 =	vmul.u32 $0xFFFFFFF4, v17;
	v25 =	vcvt.s32.f32 v17  }
0x71: {  	v21 =	vmin.u32 v21, $0x1FE;
	v17 =	vshll.u32 v23, $0x9;
	v19 =	vsub.f32 v19, v22  }
0x72: {  	v18 =	vadd.s32 v18, v24;
	v22 =	vadd.f32 $5.000000000e-01, v25;
	v25 =	vnsel vm15, $0x0, v20  }
0x73: {  	v24 =	vsub.f32 $1.000000000e+00, v16;
	v18 =	vcvt.s32.f32 v18;
	v27 =	vsub.f32 $1.000000000e+00, v19  }
0x74: {  	v20 =	vshll.u32 v21, $0x9;
	v28 =	vmin.u32 v25, $0x1FE;
	v23 =	vmul.f32 v22, v14  }
0x75: {  	s24 =	simm.s32 $0x460;
	s23 =	simm.s32 $0x9E0;
	s29 =	simm.s32 $0x20;
	v22 =	vadd.s32 $0x200, v20;
	v26 =	vadd.f32 $5.000000000e-01, v18;
	v20 =	vmul.f32 v27, v24  }
0x76: {  	s26 =	simm.s32 $0x460;
	s25 =	simm.s32 $0x9E0;
	s22 =	sshll.u32 s20, $0x1;
	v18 =	vmul.f32 v27, v16;
	v21 =	vadd.f32 v23, v12;
	v23 =	vadd.s32 $0x1, v28  }
.LBB2_5:
0x77: {  	s24 =	sadd.s32 $0x40, s24  }
0x78: {  	v26 =	vmul.f32 v26, v15;
	v25 =	vmin.u32 v25, $0x1FF;
	v24 =	vmul.f32 v19, v24;
	s23 =	sadd.s32 $0x10, s23;
	s30 =	smov.u32 s29;
	s28 =	sadd.s32 $0x10, s29  }
0x79: {  	p0 =	sne.s32 s29, $0x80;
	v19 =	vmul.f32 v19, v16;
	v27 =	vtrunc.f32 v21;
	v28 =	vor.u32 v17, v25  }
0x7a: {  	v16 =	vor.u32 v25, v22;
	v26 =	vadd.f32 v26, v13;
	v27 =	vcvt.f32.s32 v27;
	[tilespmem:s26+$0xFFFFFFE0] =	vst v28  }
0x7b: {  	v17 =	vadd.s32 v17, v23;
	[tilespmem:s26+$0x0] =	vst v16;
	v16 =	vadd.s32 v22, v23  }
0x7c: {  	v22 =	vor.u32 s30, v0;
	v23 =	vtrunc.f32 v26;
	v25 =	vcvt.s32.f32 v27;
	[tilespmem:s26+$0x10] =	vst v16  }
0x7d: {  	v28 =	vmulhi.u32 $0xAAAAAAAB, v22;
	vm0 =	vgt.s32 v27, $0x0;
	v23 =	vcvt.f32.s32 v23;
	[tilespmem:s26+$0xFFFFFFF0] =	vst v17;
	s26 =	smov.u32 s24  }
0x7e: {  	v16 =	vsub.f32 v21, v25;
	v21 =	vnsel vm0, $0x0, v27;
	[tilespmem:s25+$0xFFFFFEE0] =	vst v20  }
0x7f: {  	v17 =	vshrl.u32 v28, $0x3;
	v20 =	vcvt.s32.f32 v23;
	v25 =	vmin.u32 v21, $0x1FF;
	[tilespmem:s25+$0x90] =	vst v19  }
0x80: {  	v27 =	vmul.u32 $0xFFFFFFF4, v17;
	v28 =	vcvt.s32.f32 v17;
	v17 =	vshll.u32 v25, $0x9;
	[tilespmem:s25+$0x0] =	vst v18  }
0x81: {  	vm0 =	vgt.s32 v23, $0x0;
	v18 =	vmin.u32 v21, $0x1FE;
	v19 =	vsub.f32 v26, v20;
	[tilespmem:s25+$0xFFFFFF70] =	vst v24;
	s25 =	smov.u32 s23  }
.Ltmp5:
0x82: {  	v25 =	vnsel vm0, $0x0, v23;
	v20 =	vadd.s32 v22, v27;
	v21 =	vadd.f32 $5.000000000e-01, v28;
	(pc) =	sbr.rel @p0 .LBB2_5-.Ltmp5, $4  }
0x83: {  	v24 =	vsub.f32 $1.000000000e+00, v16;
	v20 =	vcvt.s32.f32 v20;
	v27 =	vsub.f32 $1.000000000e+00, v19  }
0x84: {  	v23 =	vmin.u32 v25, $0x1FE;
	v18 =	vshll.u32 v18, $0x9;
	v21 =	vmul.f32 v21, v14  }
0x85: {  	v22 =	vadd.s32 $0x200, v18;
	v26 =	vadd.f32 $5.000000000e-01, v20;
	v20 =	vmul.f32 v27, v24  }
0x86: {  	s29 =	smov.u32 s28;
	v23 =	vadd.s32 $0x1, v23;
	v21 =	vadd.f32 v21, v12;
	v18 =	vmul.f32 v27, v16  }
0x87: {  	v12 =	vmul.f32 v26, v15;
	_ =	sdelay $0x1  }
0x88: {  	v49 =	vadd.s32 v22, v23;
	v45 =	vtrunc.f32 v21;
	v12 =	vadd.f32 v12, v13  }
0x89: {  	v14 =	vmin.u32 v25, $0x1FF;
	v50 =	vadd.s32 v17, v23;
	[tilespmem:s26+$0x10] =	vst v49;
	v15 =	vcvt.f32.s32 v45  }
0x8a: {  	v46 =	vor.u32 v17, v14;
	v47 =	vor.u32 v14, v22;
	[tilespmem:s26+$0xFFFFFFF0] =	vst v50;
	v48 =	vtrunc.f32 v12  }
0x8b: {  	[tilespmem:s26+$0xFFFFFFE0] =	vst v46;
	vm0 =	vgt.s32 v15, $0x0;
	v51 =	vcvt.s32.f32 v15;
	v14 =	vcvt.f32.s32 v48  }
0x8c: {  	v24 =	vmul.f32 v19, v24;
	v53 =	vmul.f32 v19, v16;
	[tilespmem:s26+$0x0] =	vst v47;
	v52 =	vnsel vm0, $0x0, v15  }
0x8d: {  	[tilespmem:s25+$0xFFFFFEE0] =	vst v20;
	v55 =	vmin.u32 v52, $0x1FF;
	v56 =	vsub.f32 v21, v51;
	vm15 =	vgt.s32 v14, $0x0  }
0x8e: {  	[tilespmem:s25+$0x90] =	vst v53;
	v13 =	vmin.u32 v52, $0x1FE;
	v54 =	vcvt.s32.f32 v14;
	v14 =	vnsel vm15, $0x0, v14  }
0x8f: {  	[tilespmem:s25+$0x0] =	vst v18;
	v17 =	vshll.u32 v55, $0x9;
	v13 =	vshll.u32 v13, $0x9;
	v58 =	vmin.u32 v14, $0x1FF  }
0x90: {  	s24 =	sadd.s32 $0x40, s24;
	[tilespmem:s25+$0xFFFFFF70] =	vst v24;
	v13 =	vadd.s32 $0x200, v13;
	v14 =	vmin.u32 v14, $0x1FE;
	v59 =	vor.u32 v17, v58  }
0x91: {  	v12 =	vsub.f32 v12, v54;
	v14 =	vadd.s32 $0x1, v14;
	v16 =	vor.u32 v58, v13;
	[tilespmem:s24+$0xFFFFFFE0] =	vst v59  }
0x92: {  	v57 =	vsub.f32 $1.000000000e+00, v56;
	[tilespmem:s24+$0x0] =	vst v16;
	v13 =	vadd.s32 v13, v14  }
0x93: {  	v60 =	vsub.f32 $1.000000000e+00, v12;
	v14 =	vadd.s32 v17, v14;
	v62 =	vmul.f32 v12, v56;
	[tilespmem:s24+$0x10] =	vst v13  }
0x94: {  	s23 =	sadd.s32 $0x10, s23;
	v12 =	vmul.f32 v12, v57;
	[tilespmem:s24+$0xFFFFFFF0] =	vst v14  }
0x95: {  	v61 =	vmul.f32 v60, v57;
	[tilespmem:s23+$0x90] =	vst v62  }
0x96: {  	v63 =	vmul.f32 v60, v56;
	[tilespmem:s23+$0xFFFFFF70] =	vst v12  }
0x97: {  	[tilespmem:s23+$0xFFFFFEE0] =	vst v61  }
0x98: {  	[tilespmem:s23+$0x0] =	vst v63  }
0x99: {  	[tilespmem:s13], [sflag:$0x2] =	stream.indirect.gather [hbm4b:s5+s9], $0x60, s12, s9, $0xb8;
	[tilespmem:$0x1F400] =	vst v63  }
0x9a: {  	_ =	swait.ge [sflag:s14], $0xD800  }
0x9b: {  	s26 =	simm.s32 $0x0;
	s25 =	simm.s32 $0x0;
	[sflag:s14] =	ssyncset.done $0x0  }
0x9c: {  	s24 =	simm.s32 $0x1700;
	s23 =	simm.s32 $0x0;
	[sflag:s14] =	ssyncadd.s32 $0xFFFF2800  }
.LBB2_7:
0x9d: {  	s28 =	sshll.u32 s26, $0x4;
	v17 =	vld [tilespmem:s24+$0xFFFFF400]  }
0x9e: {  	v12 =	vld [tilespmem:s28+$0x680]  }
0x9f: {  	v13 =	vld [tilespmem:s28+$0x710]  }
0xa0: {  	v14 =	vld [tilespmem:s28+$0x7A0]  }
0xa1: {  	v18 =	vld [tilespmem:s24+$0xFFFFFA00]  }
0xa2: {  	v19 =	vld [tilespmem:s24+$0x0]  }
0xa3: {  	v20 =	vmov s23;
	v15 =	vld [tilespmem:s28+$0x830]  }
0xa4: {  	v23 =	vperm.xlane v12, v20;
	v24 =	vperm.xlane v13, v20  }
0xa5: {  	v21 =	vld [tilespmem:s24+$0x600];
	v16 =	vperm.xlane v14, v20  }
0xa6: {  	s28 =	sadd.s32 $0x0, s25;
	v22 =	vmul.f32 v17, v23;
	v18 =	vmul.f32 v18, v24  }
0xa7: {  	v25 =	vmov s28;
	v19 =	vmul.f32 v19, v16  }
0xa8: {  	v17 =	vperm.xlane v15, v20;
	v20 =	vadd.f32 v18, v22;
	v18 =	vand.u32 $0xFF, v25  }
0xa9: {  	v22 =	vadd.s32 v1, v18  }
0xaa: {  	v19 =	vadd.f32 v19, v20;
	v20 =	vmul.f32 v21, v17;
	_ =	sdelay $0x1  }
0xab: {  	v19 =	vadd.f32 v20, v19;
	_ =	sdelay $0x1  }
0xac: {  	[tilespmem:v22+s15+$0x0] =	vst.idx.msk $0xffff, v19  }
0xad: {  	v19 =	vld [tilespmem:s24+$0xFFFFF410]  }
0xae: {  	v20 =	vld [tilespmem:s24+$0xFFFFFA10];
	_ =	sdelay $0x1  }
0xaf: {  	v21 =	vld [tilespmem:s24+$0x10];
	_ =	sdelay $0x1  }
0xb0: {  	v22 =	vld [tilespmem:s24+$0x610]  }
0xb1: {  	v19 =	vmul.f32 v19, v23;
	v20 =	vmul.f32 v20, v24;
	_ =	sdelay $0x1  }
0xb2: {  	v19 =	vadd.f32 v20, v19;
	v20 =	vmul.f32 v21, v16  }
0xb3: {  	v21 =	vadd.s32 v6, v18  }
0xb4: {  	v19 =	vadd.f32 v20, v19;
	v20 =	vmul.f32 v22, v17;
	_ =	sdelay $0x1  }
0xb5: {  	v19 =	vadd.f32 v20, v19;
	_ =	sdelay $0x1  }
0xb6: {  	[tilespmem:v21+s15+$0x0] =	vst.idx.msk $0xffff, v19  }
0xb7: {  	v19 =	vld [tilespmem:s24+$0xFFFFF420]  }
0xb8: {  	v20 =	vld [tilespmem:s24+$0xFFFFFA20];
	_ =	sdelay $0x1  }
0xb9: {  	v21 =	vld [tilespmem:s24+$0x20];
	_ =	sdelay $0x1  }
0xba: {  	v22 =	vld [tilespmem:s24+$0x620]  }
0xbb: {  	v19 =	vmul.f32 v19, v23;
	v20 =	vmul.f32 v20, v24;
	_ =	sdelay $0x1  }
0xbc: {  	v19 =	vadd.f32 v20, v19;
	v20 =	vmul.f32 v21, v16  }
0xbd: {  	v21 =	vadd.s32 v7, v18  }
0xbe: {  	v19 =	vadd.f32 v20, v19;
	v20 =	vmul.f32 v22, v17;
	_ =	sdelay $0x1  }
0xbf: {  	v19 =	vadd.f32 v20, v19;
	_ =	sdelay $0x1  }
0xc0: {  	[tilespmem:v21+s15+$0x0] =	vst.idx.msk $0xffff, v19  }
0xc1: {  	v19 =	vld [tilespmem:s24+$0xFFFFF430]  }
0xc2: {  	v20 =	vld [tilespmem:s24+$0xFFFFFA30];
	_ =	sdelay $0x1  }
0xc3: {  	v21 =	vld [tilespmem:s24+$0x30];
	_ =	sdelay $0x1  }
0xc4: {  	v22 =	vld [tilespmem:s24+$0x630]  }
0xc5: {  	v19 =	vmul.f32 v19, v23;
	v20 =	vmul.f32 v20, v24;
	_ =	sdelay $0x1  }
0xc6: {  	v19 =	vadd.f32 v20, v19;
	v20 =	vmul.f32 v21, v16  }
0xc7: {  	v21 =	vadd.s32 v9, v18  }
0xc8: {  	v19 =	vadd.f32 v20, v19;
	v20 =	vmul.f32 v22, v17;
	_ =	sdelay $0x1  }
0xc9: {  	v19 =	vadd.f32 v20, v19;
	_ =	sdelay $0x1  }
0xca: {  	[tilespmem:v21+s15+$0x0] =	vst.idx.msk $0xffff, v19  }
0xcb: {  	v19 =	vld [tilespmem:s24+$0xFFFFF440]  }
0xcc: {  	v20 =	vld [tilespmem:s24+$0xFFFFFA40];
	_ =	sdelay $0x1  }
0xcd: {  	v21 =	vld [tilespmem:s24+$0x40];
	_ =	sdelay $0x1  }
0xce: {  	v22 =	vld [tilespmem:s24+$0x640]  }
0xcf: {  	v19 =	vmul.f32 v19, v23;
	v20 =	vmul.f32 v20, v24;
	_ =	sdelay $0x1  }
0xd0: {  	v19 =	vadd.f32 v20, v19;
	v20 =	vmul.f32 v21, v16  }
0xd1: {  	v21 =	vadd.s32 v10, v18  }
0xd2: {  	v19 =	vadd.f32 v20, v19;
	v20 =	vmul.f32 v22, v17;
	_ =	sdelay $0x1  }
0xd3: {  	v19 =	vadd.f32 v20, v19;
	_ =	sdelay $0x1  }
0xd4: {  	[tilespmem:v21+s15+$0x0] =	vst.idx.msk $0xffff, v19  }
0xd5: {  	v19 =	vld [tilespmem:s24+$0xFFFFF450]  }
0xd6: {  	v63 =	vld [tilespmem:s24+$0xFFFFFA50];
	_ =	sdelay $0x1  }
0xd7: {  	v22 =	vld [tilespmem:s24+$0x50];
	_ =	sdelay $0x1  }
0xd8: {  	v21 =	vld [tilespmem:s24+$0x650]  }
0xd9: {  	s29 =	smov.u32 s24;
	s28 =	simm.s32 $0x1;
	v20 =	vmul.f32 v19, v23;
	v19 =	vmul.f32 v63, v24  }
.LBB2_8:
0xda: {  	p0 =	sne.s32 s28, $0xF  }
0xdb: {  	v16 =	vmul.f32 v22, v16;
	s29 =	sadd.s32 $0x60, s29;
	s30 =	smov.u32 s28;
	s28 =	sadd.s32 $0x1, s28  }
0xdc: {  	v18 =	vadd.s32 v11, v18;
	v19 =	vadd.f32 v19, v20  }
0xdd: {  	v17 =	vmul.f32 v21, v17  }
0xde: {  	v16 =	vadd.f32 v16, v19;
	_ =	sdelay $0x1  }
0xdf: {  	v16 =	vadd.f32 v17, v16;
	_ =	sdelay $0x1  }
0xe0: {  	[tilespmem:v18+s15+$0x0] =	vst.idx.msk $0xffff, v16  }
0xe1: {  	v17 =	vld [tilespmem:s29+$0xFFFFF400]  }
0xe2: {  	v18 =	vld [tilespmem:s29+$0xFFFFFA00]  }
0xe3: {  	v21 =	vld [tilespmem:s29+$0x0]  }
0xe4: {  	v22 =	vmov s30  }
0xe5: {  	v20 =	vperm.xlane v12, v22;
	v19 =	vperm.xlane v13, v22  }
0xe6: {  	v16 =	vperm.xlane v14, v22;
	v23 =	vld [tilespmem:s29+$0x600]  }
0xe7: {  	s30 =	sadd.s32 s30, s25;
	v24 =	vmul.f32 v17, v20;
	v18 =	vmul.f32 v18, v19  }
0xe8: {  	v25 =	vmov s30;
	v21 =	vmul.f32 v21, v16  }
0xe9: {  	v17 =	vperm.xlane v15, v22;
	v22 =	vadd.f32 v18, v24;
	v18 =	vand.u32 $0xFF, v25  }
0xea: {  	v24 =	vadd.s32 v1, v18  }
0xeb: {  	v21 =	vadd.f32 v21, v22;
	v22 =	vmul.f32 v23, v17;
	_ =	sdelay $0x1  }
0xec: {  	v21 =	vadd.f32 v22, v21;
	_ =	sdelay $0x1  }
0xed: {  	[tilespmem:v24+s15+$0x0] =	vst.idx.msk $0xffff, v21  }
0xee: {  	v21 =	vld [tilespmem:s29+$0xFFFFF410]  }
0xef: {  	v22 =	vld [tilespmem:s29+$0xFFFFFA10];
	_ =	sdelay $0x1  }
0xf0: {  	v23 =	vld [tilespmem:s29+$0x10];
	_ =	sdelay $0x1  }
0xf1: {  	v24 =	vld [tilespmem:s29+$0x610]  }
0xf2: {  	v21 =	vmul.f32 v21, v20;
	v22 =	vmul.f32 v22, v19;
	_ =	sdelay $0x1  }
0xf3: {  	v21 =	vadd.f32 v22, v21;
	v22 =	vmul.f32 v23, v16  }
0xf4: {  	v23 =	vadd.s32 v6, v18  }
0xf5: {  	v21 =	vadd.f32 v22, v21;
	v22 =	vmul.f32 v24, v17;
	_ =	sdelay $0x1  }
0xf6: {  	v21 =	vadd.f32 v22, v21;
	_ =	sdelay $0x1  }
0xf7: {  	[tilespmem:v23+s15+$0x0] =	vst.idx.msk $0xffff, v21  }
0xf8: {  	v21 =	vld [tilespmem:s29+$0xFFFFF420]  }
0xf9: {  	v22 =	vld [tilespmem:s29+$0xFFFFFA20];
	_ =	sdelay $0x1  }
0xfa: {  	v23 =	vld [tilespmem:s29+$0x20];
	_ =	sdelay $0x1  }
0xfb: {  	v24 =	vld [tilespmem:s29+$0x620];
	v21 =	vmul.f32 v21, v20  }
0xfc: {  	v22 =	vmul.f32 v22, v19;
	_ =	sdelay $0x1  }
0xfd: {  	v21 =	vadd.f32 v22, v21;
	v22 =	vmul.f32 v23, v16  }
0xfe: {  	v23 =	vadd.s32 v7, v18  }
0xff: {  	v21 =	vadd.f32 v22, v21;
	v22 =	vmul.f32 v24, v17;
	_ =	sdelay $0x1  }
0x100: {  	v21 =	vadd.f32 v22, v21;
	_ =	sdelay $0x1  }
0x101: {  	[tilespmem:v23+s15+$0x0] =	vst.idx.msk $0xffff, v21  }
0x102: {  	v21 =	vld [tilespmem:s29+$0xFFFFF430]  }
0x103: {  	v22 =	vld [tilespmem:s29+$0xFFFFFA30];
	_ =	sdelay $0x1  }
0x104: {  	v23 =	vld [tilespmem:s29+$0x30];
	_ =	sdelay $0x1  }
0x105: {  	v24 =	vld [tilespmem:s29+$0x630];
	v21 =	vmul.f32 v21, v20  }
0x106: {  	v22 =	vmul.f32 v22, v19;
	_ =	sdelay $0x1  }
0x107: {  	v21 =	vadd.f32 v22, v21;
	v22 =	vmul.f32 v23, v16  }
0x108: {  	v23 =	vadd.s32 v9, v18  }
0x109: {  	v21 =	vadd.f32 v22, v21;
	v22 =	vmul.f32 v24, v17;
	_ =	sdelay $0x1  }
0x10a: {  	v21 =	vadd.f32 v22, v21;
	_ =	sdelay $0x1  }
0x10b: {  	[tilespmem:v23+s15+$0x0] =	vst.idx.msk $0xffff, v21  }
0x10c: {  	v21 =	vld [tilespmem:s29+$0xFFFFF440]  }
0x10d: {  	v22 =	vld [tilespmem:s29+$0xFFFFFA40]  }
0x10e: {  	v23 =	vld [tilespmem:s29+$0x40]  }
0x10f: {  	v24 =	vld [tilespmem:s29+$0x640];
	_ =	sdelay $0x1  }
0x110: {  	v21 =	vmul.f32 v21, v20  }
0x111: {  	v22 =	vmul.f32 v22, v19;
	_ =	sdelay $0x1  }
0x112: {  	v21 =	vadd.f32 v22, v21;
	v22 =	vmul.f32 v23, v16  }
0x113: {  	v23 =	vadd.s32 v10, v18  }
0x114: {  	v21 =	vadd.f32 v22, v21;
	v22 =	vmul.f32 v24, v17;
	_ =	sdelay $0x1  }
0x115: {  	v21 =	vadd.f32 v22, v21;
	_ =	sdelay $0x1  }
0x116: {  	[tilespmem:v23+s15+$0x0] =	vst.idx.msk $0xffff, v21  }
0x117: {  	v23 =	vld [tilespmem:s29+$0xFFFFF450]  }
0x118: {  	v24 =	vld [tilespmem:s29+$0xFFFFFA50]  }
.Ltmp6:
0x119: {  	v22 =	vld [tilespmem:s29+$0x50];
	(pc) =	sbr.rel @p0 .LBB2_8-.Ltmp6, $3  }
0x11a: {  	v21 =	vld [tilespmem:s29+$0x650];
	_ =	sdelay $0x1  }
0x11b: {  	v20 =	vmul.f32 v23, v20  }
0x11c: {  	v19 =	vmul.f32 v24, v19  }
0x11d: {  	_ = 	snop  }
0x11e: {  	v12 =	vmul.f32 v22, v16;
	s26 =	sadd.s32 $0x1, s26;
	v13 =	vadd.f32 v19, v20  }
0x11f: {  	v14 =	vadd.s32 v11, v18;
	p0 =	sne.s32 s26, $0x9  }
.Ltmp7:
0x120: {  	v15 =	vmul.f32 v21, v17;
	v12 =	vadd.f32 v12, v13;
	(pc) =	sbr.rel @p0 .LBB2_7-.Ltmp7, $3  }
0x121: {  	_ = 	snop  }
0x122: {  	v12 =	vadd.f32 v15, v12;
	_ =	sdelay $0x1  }
0x123: {  	s25 =	sadd.s32 $0x10, s25;
	s24 =	sadd.s32 $0x1800, s24;
	[tilespmem:v14+s15+$0x0] =	vst.idx.msk $0xffff, v12  }
0x124: {  	s23 =	sor.u32 s4, s22  }
0x125: {  	p0 =	sgt.u32 s23, $0x3E7  }
.Ltmp8:
0x126: {  	_ = 	snop;
	(pc) =	sbr.rel @p0 .LBB2_14-.Ltmp8, $1  }
0x127: {  	_ =	sdelay $0x3  }
0x128: {  	s23 =	smul.u32 $0x6C0, s23;
	_ =	sdelay $0x1  }
0x129: {  	s24 =	simm.s32 $0x1BB00;
	s23 =	sadd.s32 s1, s23  }
0x12a: {  	s25 =	simm.s32 $0x12;
	s26 =	simm.s32 $0x1BB98;
	s28 =	sadd.s32 $0x0, s23  }
.LBB2_12:
0x12b: {  	[hbm4b:s28+s2] =	stream.linear.scatter [tilespmem:s24], [sflag:$0x4], $0x90, $0x38;
	[tilespmem:$0x1F400] =	vst v63  }
0x12c: {  	s28 =	smov.u32 s25;
	s24 =	smov.u32 s26;
	p0 =	sne.s32 s25, $0x6AE  }
.Ltmp9:
0x12d: {  	s25 =	sadd.s32 $0x12, s25;
	(pc) =	sbr.rel @p0 .LBB2_12-.Ltmp9, $2  }
0x12e: {  	_ =	sdelay $0x2  }
0x12f: {  	s26 =	sadd.s32 $0x98, s26;
	s28 =	sadd.s32 s28, s23  }
0x130: {  	[hbm4b:s28+s2] =	stream.linear.scatter [tilespmem:s24], [sflag:$0x4], $0x90, $0x38;
	[tilespmem:$0x1F400] =	vst v63  }
0x131: {  	_ =	swait.ge [sflag:s16], $0x3600  }
0x132: {  	[sflag:s16] =	ssyncset.done $0x0  }
0x133: {  	[sflag:s16] =	ssyncadd.s32 $0xFFFFCA00  }
.LBB2_14:
0x134: {  	s22 =	smin.u32 s22, $0x1D  }
0x135: {  	s22 =	sshll.u32 s22, $0x4  }
0x136: {  	v14 =	vld [tilespmem:s22+$0x20];
	_ =	sdelay $0x1  }
0x137: {  	s30 =	simm.s32 $0x0  }
0x138: {  	v15 =	vor.u32 s30, v0  }
0x139: {  	v13 =	vmulhi.u32 $0xAAAAAAAB, v15  }
0x13a: {  	v12 =	vperm.xlane v14, v3;
	v16 =	vperm.xlane v14, v5  }
0x13b: {  	v13 =	vshrl.u32 v13, $0x3  }
0x13c: {  	v17 =	vmul.u32 $0xFFFFFFF4, v13;
	v18 =	vcvt.s32.f32 v13;
	v16 =	vsub.f32 v16, v12  }
0x13d: {  	v13 =	vperm.xlane v14, v2;
	v19 =	vperm.xlane v14, v4  }
0x13e: {  	v15 =	vadd.s32 v15, v17;
	v14 =	vmul.f32 v16, v8;
	v16 =	vadd.f32 $5.000000000e-01, v18  }
0x13f: {  	v17 =	vsub.f32 v19, v13;
	v18 =	vcvt.s32.f32 v15  }
0x140: {  	v16 =	vmul.f32 v16, v14  }
0x141: {  	v15 =	vmul.f32 v17, v8;
	v17 =	vadd.f32 $5.000000000e-01, v18  }
0x142: {  	v16 =	vadd.f32 v16, v12  }
0x143: {  	v17 =	vmul.f32 v17, v15  }
0x144: {  	v18 =	vtrunc.f32 v16  }
0x145: {  	v19 =	vadd.f32 v17, v13;
	v17 =	vcvt.f32.s32 v18  }
0x146: {  	s31 =	simm.s32 $0x10  }
0x147: {  	v18 =	vor.u32 s31, v0;
	v20 =	vtrunc.f32 v19;
	v21 =	vcvt.s32.f32 v17  }
0x148: {  	v22 =	vmulhi.u32 $0xAAAAAAAB, v18;
	v20 =	vcvt.f32.s32 v20;
	vm0 =	vgt.s32 v17, $0x0  }
0x149: {  	v16 =	vsub.f32 v16, v21;
	v21 =	vnsel vm0, $0x0, v17  }
0x14a: {  	v17 =	vshrl.u32 v22, $0x3;
	v22 =	vcvt.s32.f32 v20;
	vm15 =	vgt.s32 v20, $0x0  }
0x14b: {  	v23 =	vmin.u32 v21, $0x1FF;
	v24 =	vmul.u32 $0xFFFFFFF4, v17;
	v25 =	vcvt.s32.f32 v17  }
0x14c: {  	v21 =	vmin.u32 v21, $0x1FE;
	v17 =	vshll.u32 v23, $0x9;
	v19 =	vsub.f32 v19, v22  }
0x14d: {  	v18 =	vadd.s32 v18, v24;
	v22 =	vadd.f32 $5.000000000e-01, v25;
	v25 =	vnsel vm15, $0x0, v20  }
0x14e: {  	v24 =	vsub.f32 $1.000000000e+00, v16;
	v18 =	vcvt.s32.f32 v18;
	v27 =	vsub.f32 $1.000000000e+00, v19  }
0x14f: {  	v20 =	vshll.u32 v21, $0x9;
	v28 =	vmin.u32 v25, $0x1FE;
	v23 =	vmul.f32 v22, v14  }
0x150: {  	s23 =	simm.s32 $0x220;
	s28 =	simm.s32 $0x20;
	v22 =	vadd.s32 $0x200, v20;
	v26 =	vadd.f32 $5.000000000e-01, v18;
	v20 =	vmul.f32 v27, v24  }
0x151: {  	s25 =	simm.s32 $0x220;
	s24 =	simm.s32 $0x7A0;
	s22 =	simm.s32 $0x7A0;
	v18 =	vmul.f32 v27, v16;
	v21 =	vadd.f32 v23, v12;
	v23 =	vadd.s32 $0x1, v28  }
.LBB2_15:
0x152: {  	s23 =	sadd.s32 $0x40, s23  }
0x153: {  	v26 =	vmul.f32 v26, v15;
	v25 =	vmin.u32 v25, $0x1FF;
	v24 =	vmul.f32 v19, v24;
	s22 =	sadd.s32 $0x10, s22;
	s29 =	smov.u32 s28;
	s26 =	sadd.s32 $0x10, s28  }
0x154: {  	p0 =	sne.s32 s28, $0x80;
	v19 =	vmul.f32 v19, v16;
	v27 =	vtrunc.f32 v21;
	v28 =	vor.u32 v17, v25  }
0x155: {  	v16 =	vor.u32 v25, v22;
	v26 =	vadd.f32 v26, v13;
	v27 =	vcvt.f32.s32 v27;
	[tilespmem:s25+$0xFFFFFFE0] =	vst v28  }
0x156: {  	v17 =	vadd.s32 v17, v23;
	[tilespmem:s25+$0x0] =	vst v16;
	v16 =	vadd.s32 v22, v23  }
0x157: {  	v22 =	vor.u32 s29, v0;
	v23 =	vtrunc.f32 v26;
	v25 =	vcvt.s32.f32 v27;
	[tilespmem:s25+$0x10] =	vst v16  }
0x158: {  	v28 =	vmulhi.u32 $0xAAAAAAAB, v22;
	vm0 =	vgt.s32 v27, $0x0;
	v23 =	vcvt.f32.s32 v23;
	[tilespmem:s25+$0xFFFFFFF0] =	vst v17;
	s25 =	smov.u32 s23  }
0x159: {  	v16 =	vsub.f32 v21, v25;
	v21 =	vnsel vm0, $0x0, v27;
	[tilespmem:s24+$0xFFFFFEE0] =	vst v20  }
0x15a: {  	v17 =	vshrl.u32 v28, $0x3;
	v20 =	vcvt.s32.f32 v23;
	v25 =	vmin.u32 v21, $0x1FF;
	[tilespmem:s24+$0x90] =	vst v19  }
0x15b: {  	v27 =	vmul.u32 $0xFFFFFFF4, v17;
	v28 =	vcvt.s32.f32 v17;
	v17 =	vshll.u32 v25, $0x9;
	[tilespmem:s24+$0x0] =	vst v18  }
0x15c: {  	vm0 =	vgt.s32 v23, $0x0;
	v18 =	vmin.u32 v21, $0x1FE;
	v19 =	vsub.f32 v26, v20;
	[tilespmem:s24+$0xFFFFFF70] =	vst v24;
	s24 =	smov.u32 s22  }
.Ltmp10:
0x15d: {  	v25 =	vnsel vm0, $0x0, v23;
	v20 =	vadd.s32 v22, v27;
	v21 =	vadd.f32 $5.000000000e-01, v28;
	(pc) =	sbr.rel @p0 .LBB2_15-.Ltmp10, $4  }
0x15e: {  	v24 =	vsub.f32 $1.000000000e+00, v16;
	v20 =	vcvt.s32.f32 v20;
	v27 =	vsub.f32 $1.000000000e+00, v19  }
0x15f: {  	v23 =	vmin.u32 v25, $0x1FE;
	v18 =	vshll.u32 v18, $0x9;
	v21 =	vmul.f32 v21, v14  }
0x160: {  	v22 =	vadd.s32 $0x200, v18;
	v26 =	vadd.f32 $5.000000000e-01, v20;
	v20 =	vmul.f32 v27, v24  }
0x161: {  	s28 =	smov.u32 s26;
	v23 =	vadd.s32 $0x1, v23;
	v21 =	vadd.f32 v21, v12;
	v18 =	vmul.f32 v27, v16  }
0x162: {  	v12 =	vmul.f32 v26, v15;
	_ =	sdelay $0x1  }
0x163: {  	v49 =	vadd.s32 v22, v23;
	v45 =	vtrunc.f32 v21;
	v12 =	vadd.f32 v12, v13  }
0x164: {  	v14 =	vmin.u32 v25, $0x1FF;
	v50 =	vadd.s32 v17, v23;
	[tilespmem:s25+$0x10] =	vst v49;
	v15 =	vcvt.f32.s32 v45  }
0x165: {  	v46 =	vor.u32 v17, v14;
	v47 =	vor.u32 v14, v22;
	[tilespmem:s25+$0xFFFFFFF0] =	vst v50;
	v48 =	vtrunc.f32 v12  }
0x166: {  	[tilespmem:s25+$0xFFFFFFE0] =	vst v46;
	vm0 =	vgt.s32 v15, $0x0;
	v51 =	vcvt.s32.f32 v15;
	v14 =	vcvt.f32.s32 v48  }
0x167: {  	v24 =	vmul.f32 v19, v24;
	v53 =	vmul.f32 v19, v16;
	[tilespmem:s25+$0x0] =	vst v47;
	v52 =	vnsel vm0, $0x0, v15  }
0x168: {  	[tilespmem:s24+$0xFFFFFEE0] =	vst v20;
	v55 =	vmin.u32 v52, $0x1FF;
	v56 =	vsub.f32 v21, v51;
	vm15 =	vgt.s32 v14, $0x0  }
0x169: {  	[tilespmem:s24+$0x90] =	vst v53;
	v13 =	vmin.u32 v52, $0x1FE;
	v54 =	vcvt.s32.f32 v14;
	v14 =	vnsel vm15, $0x0, v14  }
0x16a: {  	[tilespmem:s24+$0x0] =	vst v18;
	v17 =	vshll.u32 v55, $0x9;
	v13 =	vshll.u32 v13, $0x9;
	v58 =	vmin.u32 v14, $0x1FF  }
0x16b: {  	s23 =	sadd.s32 $0x40, s23;
	[tilespmem:s24+$0xFFFFFF70] =	vst v24;
	v13 =	vadd.s32 $0x200, v13;
	v14 =	vmin.u32 v14, $0x1FE;
	v59 =	vor.u32 v17, v58  }
0x16c: {  	v12 =	vsub.f32 v12, v54;
	v14 =	vadd.s32 $0x1, v14;
	v16 =	vor.u32 v58, v13;
	[tilespmem:s23+$0xFFFFFFE0] =	vst v59  }
0x16d: {  	v57 =	vsub.f32 $1.000000000e+00, v56;
	[tilespmem:s23+$0x0] =	vst v16;
	v13 =	vadd.s32 v13, v14  }
0x16e: {  	v60 =	vsub.f32 $1.000000000e+00, v12;
	v14 =	vadd.s32 v17, v14;
	v62 =	vmul.f32 v12, v56;
	[tilespmem:s23+$0x10] =	vst v13  }
0x16f: {  	s22 =	sadd.s32 $0x10, s22;
	v12 =	vmul.f32 v12, v57;
	[tilespmem:s23+$0xFFFFFFF0] =	vst v14  }
0x170: {  	v61 =	vmul.f32 v60, v57;
	[tilespmem:s22+$0x90] =	vst v62  }
0x171: {  	v63 =	vmul.f32 v60, v56;
	[tilespmem:s22+$0xFFFFFF70] =	vst v12  }
0x172: {  	p0 =	seq.s32 s20, $0xF;
	[tilespmem:s22+$0xFFFFFEE0] =	vst v61  }
0x173: {  	s24 =	simm.s32 @!p0 $0xB00;
	s23 =	simm.s32 @!p0 $0x200;
	[tilespmem:s22+$0x0] =	vst v63;
	s22 =	simm.s32 @!p0 $0x240  }
0x174: {  	[tilespmem:s24], [sflag:$0x1] =	stream.indirect.gather @!p0 [hbm4b:s5+s22], $0x60, s23, s22, $0xb8;
	[tilespmem:$0x1F400] =	vst v63  }
0x175: {  	_ =	swait.ge [sflag:s17], $0xD800  }
0x176: {  	s25 =	simm.s32 $0x0;
	s22 =	simm.s32 $0x0;
	[sflag:s17] =	ssyncset.done $0x0  }
0x177: {  	s23 =	simm.s32 $0xEF00;
	s24 =	simm.s32 $0x0;
	[sflag:s17] =	ssyncadd.s32 $0xFFFF2800  }
.LBB2_17:
0x178: {  	s26 =	sshll.u32 s25, $0x4;
	v17 =	vld [tilespmem:s23+$0xFFFFF400]  }
0x179: {  	v12 =	vld [tilespmem:s26+$0x8C0]  }
0x17a: {  	v13 =	vld [tilespmem:s26+$0x950]  }
0x17b: {  	v14 =	vld [tilespmem:s26+$0x9E0]  }
0x17c: {  	v18 =	vld [tilespmem:s23+$0xFFFFFA00]  }
0x17d: {  	v19 =	vld [tilespmem:s23+$0x0]  }
0x17e: {  	v20 =	vmov s22;
	v15 =	vld [tilespmem:s26+$0xA70]  }
0x17f: {  	v23 =	vperm.xlane v12, v20;
	v24 =	vperm.xlane v13, v20  }
0x180: {  	v21 =	vld [tilespmem:s23+$0x600];
	v16 =	vperm.xlane v14, v20  }
0x181: {  	s31 =	sadd.s32 $0x0, s24;
	v22 =	vmul.f32 v17, v23;
	v18 =	vmul.f32 v18, v24  }
0x182: {  	v25 =	vmov s31;
	v19 =	vmul.f32 v19, v16  }
0x183: {  	v17 =	vperm.xlane v15, v20;
	v20 =	vadd.f32 v18, v22;
	v18 =	vand.u32 $0xFF, v25  }
0x184: {  	v22 =	vadd.s32 v1, v18  }
0x185: {  	v19 =	vadd.f32 v19, v20;
	v20 =	vmul.f32 v21, v17;
	_ =	sdelay $0x1  }
0x186: {  	v19 =	vadd.f32 v20, v19;
	_ =	sdelay $0x1  }
0x187: {  	[tilespmem:v22+s15+$0x0] =	vst.idx.msk $0xffff, v19  }
0x188: {  	v19 =	vld [tilespmem:s23+$0xFFFFF410]  }
0x189: {  	v20 =	vld [tilespmem:s23+$0xFFFFFA10];
	_ =	sdelay $0x1  }
0x18a: {  	v21 =	vld [tilespmem:s23+$0x10];
	_ =	sdelay $0x1  }
0x18b: {  	v22 =	vld [tilespmem:s23+$0x610]  }
0x18c: {  	v19 =	vmul.f32 v19, v23;
	v20 =	vmul.f32 v20, v24;
	_ =	sdelay $0x1  }
0x18d: {  	v19 =	vadd.f32 v20, v19;
	v20 =	vmul.f32 v21, v16  }
0x18e: {  	v21 =	vadd.s32 v6, v18  }
0x18f: {  	v19 =	vadd.f32 v20, v19;
	v20 =	vmul.f32 v22, v17;
	_ =	sdelay $0x1  }
0x190: {  	v19 =	vadd.f32 v20, v19;
	_ =	sdelay $0x1  }
0x191: {  	[tilespmem:v21+s15+$0x0] =	vst.idx.msk $0xffff, v19  }
0x192: {  	v19 =	vld [tilespmem:s23+$0xFFFFF420]  }
0x193: {  	v20 =	vld [tilespmem:s23+$0xFFFFFA20];
	_ =	sdelay $0x1  }
0x194: {  	v21 =	vld [tilespmem:s23+$0x20];
	_ =	sdelay $0x1  }
0x195: {  	v22 =	vld [tilespmem:s23+$0x620]  }
0x196: {  	v19 =	vmul.f32 v19, v23;
	v20 =	vmul.f32 v20, v24;
	_ =	sdelay $0x1  }
0x197: {  	v19 =	vadd.f32 v20, v19;
	v20 =	vmul.f32 v21, v16  }
0x198: {  	v21 =	vadd.s32 v7, v18  }
0x199: {  	v19 =	vadd.f32 v20, v19;
	v20 =	vmul.f32 v22, v17;
	_ =	sdelay $0x1  }
0x19a: {  	v19 =	vadd.f32 v20, v19;
	_ =	sdelay $0x1  }
0x19b: {  	[tilespmem:v21+s15+$0x0] =	vst.idx.msk $0xffff, v19  }
0x19c: {  	v19 =	vld [tilespmem:s23+$0xFFFFF430]  }
0x19d: {  	v20 =	vld [tilespmem:s23+$0xFFFFFA30];
	_ =	sdelay $0x1  }
0x19e: {  	v21 =	vld [tilespmem:s23+$0x30];
	_ =	sdelay $0x1  }
0x19f: {  	v22 =	vld [tilespmem:s23+$0x630]  }
0x1a0: {  	v19 =	vmul.f32 v19, v23;
	v20 =	vmul.f32 v20, v24;
	_ =	sdelay $0x1  }
0x1a1: {  	v19 =	vadd.f32 v20, v19;
	v20 =	vmul.f32 v21, v16  }
0x1a2: {  	v21 =	vadd.s32 v9, v18  }
0x1a3: {  	v19 =	vadd.f32 v20, v19;
	v20 =	vmul.f32 v22, v17;
	_ =	sdelay $0x1  }
0x1a4: {  	v19 =	vadd.f32 v20, v19;
	_ =	sdelay $0x1  }
0x1a5: {  	[tilespmem:v21+s15+$0x0] =	vst.idx.msk $0xffff, v19  }
0x1a6: {  	v19 =	vld [tilespmem:s23+$0xFFFFF440]  }
0x1a7: {  	v20 =	vld [tilespmem:s23+$0xFFFFFA40];
	_ =	sdelay $0x1  }
0x1a8: {  	v21 =	vld [tilespmem:s23+$0x40];
	_ =	sdelay $0x1  }
0x1a9: {  	v22 =	vld [tilespmem:s23+$0x640]  }
0x1aa: {  	v19 =	vmul.f32 v19, v23;
	v20 =	vmul.f32 v20, v24;
	_ =	sdelay $0x1  }
0x1ab: {  	v19 =	vadd.f32 v20, v19;
	v20 =	vmul.f32 v21, v16  }
0x1ac: {  	v21 =	vadd.s32 v10, v18  }
0x1ad: {  	v19 =	vadd.f32 v20, v19;
	v20 =	vmul.f32 v22, v17;
	_ =	sdelay $0x1  }
0x1ae: {  	v19 =	vadd.f32 v20, v19;
	_ =	sdelay $0x1  }
0x1af: {  	[tilespmem:v21+s15+$0x0] =	vst.idx.msk $0xffff, v19  }
0x1b0: {  	v19 =	vld [tilespmem:s23+$0xFFFFF450]  }
0x1b1: {  	v63 =	vld [tilespmem:s23+$0xFFFFFA50];
	_ =	sdelay $0x1  }
0x1b2: {  	v22 =	vld [tilespmem:s23+$0x50];
	_ =	sdelay $0x1  }
0x1b3: {  	v21 =	vld [tilespmem:s23+$0x650]  }
0x1b4: {  	s28 =	smov.u32 s23;
	s26 =	simm.s32 $0x1;
	v20 =	vmul.f32 v19, v23;
	v19 =	vmul.f32 v63, v24  }
.LBB2_18:
0x1b5: {  	p0 =	sne.s32 s26, $0xF  }
0x1b6: {  	v16 =	vmul.f32 v22, v16;
	s28 =	sadd.s32 $0x60, s28;
	s29 =	smov.u32 s26;
	s26 =	sadd.s32 $0x1, s26  }
0x1b7: {  	v18 =	vadd.s32 v11, v18;
	v19 =	vadd.f32 v19, v20  }
0x1b8: {  	v17 =	vmul.f32 v21, v17  }
0x1b9: {  	v16 =	vadd.f32 v16, v19;
	_ =	sdelay $0x1  }
0x1ba: {  	v16 =	vadd.f32 v17, v16;
	_ =	sdelay $0x1  }
0x1bb: {  	[tilespmem:v18+s15+$0x0] =	vst.idx.msk $0xffff, v16  }
0x1bc: {  	v17 =	vld [tilespmem:s28+$0xFFFFF400]  }
0x1bd: {  	v18 =	vld [tilespmem:s28+$0xFFFFFA00]  }
0x1be: {  	v21 =	vld [tilespmem:s28+$0x0]  }
0x1bf: {  	v22 =	vmov s29  }
0x1c0: {  	v20 =	vperm.xlane v12, v22;
	v19 =	vperm.xlane v13, v22  }
0x1c1: {  	v16 =	vperm.xlane v14, v22;
	v23 =	vld [tilespmem:s28+$0x600]  }
0x1c2: {  	s29 =	sadd.s32 s29, s24;
	v24 =	vmul.f32 v17, v20;
	v18 =	vmul.f32 v18, v19  }
0x1c3: {  	v25 =	vmov s29;
	v21 =	vmul.f32 v21, v16  }
0x1c4: {  	v17 =	vperm.xlane v15, v22;
	v22 =	vadd.f32 v18, v24;
	v18 =	vand.u32 $0xFF, v25  }
0x1c5: {  	v24 =	vadd.s32 v1, v18  }
0x1c6: {  	v21 =	vadd.f32 v21, v22;
	v22 =	vmul.f32 v23, v17;
	_ =	sdelay $0x1  }
0x1c7: {  	v21 =	vadd.f32 v22, v21;
	_ =	sdelay $0x1  }
0x1c8: {  	[tilespmem:v24+s15+$0x0] =	vst.idx.msk $0xffff, v21  }
0x1c9: {  	v21 =	vld [tilespmem:s28+$0xFFFFF410]  }
0x1ca: {  	v22 =	vld [tilespmem:s28+$0xFFFFFA10];
	_ =	sdelay $0x1  }
0x1cb: {  	v23 =	vld [tilespmem:s28+$0x10];
	_ =	sdelay $0x1  }
0x1cc: {  	v24 =	vld [tilespmem:s28+$0x610]  }
0x1cd: {  	v21 =	vmul.f32 v21, v20;
	v22 =	vmul.f32 v22, v19;
	_ =	sdelay $0x1  }
0x1ce: {  	v21 =	vadd.f32 v22, v21;
	v22 =	vmul.f32 v23, v16  }
0x1cf: {  	v23 =	vadd.s32 v6, v18  }
0x1d0: {  	v21 =	vadd.f32 v22, v21;
	v22 =	vmul.f32 v24, v17;
	_ =	sdelay $0x1  }
0x1d1: {  	v21 =	vadd.f32 v22, v21;
	_ =	sdelay $0x1  }
0x1d2: {  	[tilespmem:v23+s15+$0x0] =	vst.idx.msk $0xffff, v21  }
0x1d3: {  	v21 =	vld [tilespmem:s28+$0xFFFFF420]  }
0x1d4: {  	v22 =	vld [tilespmem:s28+$0xFFFFFA20];
	_ =	sdelay $0x1  }
0x1d5: {  	v23 =	vld [tilespmem:s28+$0x20];
	_ =	sdelay $0x1  }
0x1d6: {  	v24 =	vld [tilespmem:s28+$0x620];
	v21 =	vmul.f32 v21, v20  }
0x1d7: {  	v22 =	vmul.f32 v22, v19;
	_ =	sdelay $0x1  }
0x1d8: {  	v21 =	vadd.f32 v22, v21;
	v22 =	vmul.f32 v23, v16  }
0x1d9: {  	v23 =	vadd.s32 v7, v18  }
0x1da: {  	v21 =	vadd.f32 v22, v21;
	v22 =	vmul.f32 v24, v17;
	_ =	sdelay $0x1  }
0x1db: {  	v21 =	vadd.f32 v22, v21;
	_ =	sdelay $0x1  }
0x1dc: {  	[tilespmem:v23+s15+$0x0] =	vst.idx.msk $0xffff, v21  }
0x1dd: {  	v21 =	vld [tilespmem:s28+$0xFFFFF430]  }
0x1de: {  	v22 =	vld [tilespmem:s28+$0xFFFFFA30];
	_ =	sdelay $0x1  }
0x1df: {  	v23 =	vld [tilespmem:s28+$0x30];
	_ =	sdelay $0x1  }
0x1e0: {  	v24 =	vld [tilespmem:s28+$0x630];
	v21 =	vmul.f32 v21, v20  }
0x1e1: {  	v22 =	vmul.f32 v22, v19;
	_ =	sdelay $0x1  }
0x1e2: {  	v21 =	vadd.f32 v22, v21;
	v22 =	vmul.f32 v23, v16  }
0x1e3: {  	v23 =	vadd.s32 v9, v18  }
0x1e4: {  	v21 =	vadd.f32 v22, v21;
	v22 =	vmul.f32 v24, v17;
	_ =	sdelay $0x1  }
0x1e5: {  	v21 =	vadd.f32 v22, v21;
	_ =	sdelay $0x1  }
0x1e6: {  	[tilespmem:v23+s15+$0x0] =	vst.idx.msk $0xffff, v21  }
0x1e7: {  	v21 =	vld [tilespmem:s28+$0xFFFFF440]  }
0x1e8: {  	v22 =	vld [tilespmem:s28+$0xFFFFFA40]  }
0x1e9: {  	v23 =	vld [tilespmem:s28+$0x40]  }
0x1ea: {  	v24 =	vld [tilespmem:s28+$0x640];
	_ =	sdelay $0x1  }
0x1eb: {  	v21 =	vmul.f32 v21, v20  }
0x1ec: {  	v22 =	vmul.f32 v22, v19;
	_ =	sdelay $0x1  }
0x1ed: {  	v21 =	vadd.f32 v22, v21;
	v22 =	vmul.f32 v23, v16  }
0x1ee: {  	v23 =	vadd.s32 v10, v18  }
0x1ef: {  	v21 =	vadd.f32 v22, v21;
	v22 =	vmul.f32 v24, v17;
	_ =	sdelay $0x1  }
0x1f0: {  	v21 =	vadd.f32 v22, v21;
	_ =	sdelay $0x1  }
0x1f1: {  	[tilespmem:v23+s15+$0x0] =	vst.idx.msk $0xffff, v21  }
0x1f2: {  	v23 =	vld [tilespmem:s28+$0xFFFFF450]  }
0x1f3: {  	v24 =	vld [tilespmem:s28+$0xFFFFFA50]  }
.Ltmp11:
0x1f4: {  	v22 =	vld [tilespmem:s28+$0x50];
	(pc) =	sbr.rel @p0 .LBB2_18-.Ltmp11, $3  }
0x1f5: {  	v21 =	vld [tilespmem:s28+$0x650];
	_ =	sdelay $0x1  }
0x1f6: {  	v20 =	vmul.f32 v23, v20  }
0x1f7: {  	v19 =	vmul.f32 v24, v19  }
0x1f8: {  	_ = 	snop  }
0x1f9: {  	v12 =	vmul.f32 v22, v16;
	s25 =	sadd.s32 $0x1, s25;
	v13 =	vadd.f32 v19, v20  }
0x1fa: {  	v14 =	vadd.s32 v11, v18;
	p0 =	sne.s32 s25, $0x9  }
.Ltmp12:
0x1fb: {  	v15 =	vmul.f32 v21, v17;
	v12 =	vadd.f32 v12, v13;
	(pc) =	sbr.rel @p0 .LBB2_17-.Ltmp12, $3  }
0x1fc: {  	_ = 	snop  }
0x1fd: {  	v12 =	vadd.f32 v15, v12;
	_ =	sdelay $0x1  }
0x1fe: {  	s24 =	sadd.s32 $0x10, s24;
	s23 =	sadd.s32 $0x1800, s23;
	[tilespmem:v14+s15+$0x0] =	vst.idx.msk $0xffff, v12  }
0x1ff: {  	s21 =	sor.u32 s4, s21  }
0x200: {  	p0 =	sgt.u32 s21, $0x3E7  }
.Ltmp13:
0x201: {  	_ = 	snop;
	(pc) =	sbr.rel @p0 .LBB2_24-.Ltmp13, $1  }
0x202: {  	_ =	sdelay $0x3  }
0x203: {  	s21 =	smul.u32 $0x6C0, s21;
	_ =	sdelay $0x1  }
0x204: {  	s22 =	simm.s32 $0x1BB00;
	s21 =	sadd.s32 s1, s21  }
0x205: {  	s23 =	simm.s32 $0x12;
	s24 =	simm.s32 $0x1BB98;
	s25 =	sadd.s32 $0x0, s21  }
.LBB2_22:
0x206: {  	[hbm4b:s25+s2] =	stream.linear.scatter [tilespmem:s22], [sflag:$0x3], $0x90, $0x38;
	[tilespmem:$0x1F400] =	vst v63  }
0x207: {  	s25 =	smov.u32 s23;
	s22 =	smov.u32 s24;
	p0 =	sne.s32 s23, $0x6AE  }
.Ltmp14:
0x208: {  	s23 =	sadd.s32 $0x12, s23;
	(pc) =	sbr.rel @p0 .LBB2_22-.Ltmp14, $2  }
0x209: {  	_ =	sdelay $0x2  }
0x20a: {  	s24 =	sadd.s32 $0x98, s24;
	s25 =	sadd.s32 s25, s21  }
.Ltmp15:
0x20b: {  	(pc) =	sbr.rel .LBB2_24-.Ltmp15, $4  }
0x20c: {  	[hbm4b:s25+s2] =	stream.linear.scatter [tilespmem:s22], [sflag:$0x3], $0x90, $0x38;
	[tilespmem:$0x1F400] =	vst v63  }
0x20d: {  	_ =	swait.ge [sflag:s8], $0x3600  }
0x20e: {  	[sflag:s8] =	ssyncset.done $0x0  }
0x20f: {  	[sflag:s8] =	ssyncadd.s32 $0xFFFFCA00  }
.LBB2_26:
0x210: {  	_ =	sfence.sel $0x180000  }
0x211: {  	[bflag:$0x0] =	sbarrier.arrive $0xFFFF  }
0x212: {  	p0 =	sne.s32 s3, $0x0;
	_ =	strace $0x90000047  }
0x213: {  	s0 =	sadd.s32 @!p0 $0x100000, s0;
	[bflag:$0x2] =	sbarrier.arrive $0xFFFF  }
0x214: {  	[sflag:s0] =	ssyncadd.tile.s32 @!p0 $0x1;
	_ =	shalt  }
.Lfunc_end2:
_tile_overlayer_lowered:
.L_overlay_start_2:
0x215: {  	(tag) =	ssettag $0x2  }
0x216: {  	s0 =	rddreg [dreg:$0x0];
	s2 =	stileid.u32  }
0x217: {  	s1 =	rddreg [dreg:$0x1];
	p0 =	sne.s32 s2, $0x0  }
0x218: {  	s3 =	rddreg [dreg:$0x2];
	[bflag:$0x3] =	sbarrier.arrive $0xFFFF;
	s2 =	simm.s32 @!p0 $0x1C03  }
0x219: {  	[timem:s3], [sflag:s2] =	dma.local @!p0 [hbm:s0], s1  }
0x21a: {  	s0 =	simm.s32 @!p0 $0x3  }
0x21b: {  	_ =	swait.ge @!p0 [sflag:s0], s1  }
0x21c: {  	s1 =	ssub.s32 @!p0 $0x0, s1;
	[sflag:s0] =	ssyncset.done @!p0 $0x0  }
0x21d: {  	[sflag:s0] =	ssyncadd.s32 @!p0 s1  }
0x21e: {  	[bflag:$0x3] =	sbarrier.arrive $0xFFFF  }
0x21f: {  	_ =	shalt  }

// kernel: sparse-core-data-format-call.cloned.1.call-start
scs
called_computation_lowered:
.L_overlay_start_0:
0x0: {  	s2 =	sld [smem:$0x3FD9]  }
0x1: {  	s3 =	sld [smem:$0x3FFE];
	_ =	sdelay $0x1  }
0x2: {  	s1 =	srdreg.scid  }
0x3: {  	s0 =	sand.u32 $0x1, s1  }
0x4: {  	s18 =	sshll.u32 s0, $0xA;
	s2 =	sadd.s32 s3, s2  }
0x5: {  	s2 =	sadd.s32 s2, s18  }
0x6: {  	[smem:$0x3FC6] =	sst s2  }
0x7: {  	_ = 	snop  }
0x8: {  	s2 =	sld [smem:$0x3FD0];
	(tm) =	ssettm $0x1  }
0x9: {  	s19 =	sld [smem:$0x3FFB];
	_ =	sdelay $0x3  }
0xa: {  	_ =	strace s19  }
0xb: {  	s3 =	sld [smem:$0x3FFC];
	_ =	sdelay $0x3  }
0xc: {  	_ =	strace s3  }
0xd: {  	s3 =	sld [smem:$0x3FFD];
	_ =	sdelay $0x3  }
0xe: {  	_ =	strace s3  }
0xf: {  	_ =	strace $0x8FFFFFFF  }
0x10: {  	s20 =	sld [smem:$0x3FDB];
	_ =	sdelay $0x1  }
0x11: {  	s4 =	simm.s32 $_scs_section_size  }
0x12: {  	s5 =	simm.s32 $_size__tile_overlayer_lowered;
	s6 =	simm.s32 $_tile_overlayer_lowered  }
0x13: {  	s23 =	simm.s32 $0x1BFF;
	s22 =	sshll.u32 s6, $0x1;
	s3 =	sadd.s32 s4, s20  }
0x14: {  	s7 =	simm.s32 $0x0;
	s21 =	sshll.u32 s5, $0x1;
	s5 =	sadd.s32 s22, s3  }
0x15: {  	[timem:s7], [sflag:s23] =	dma.local [hbm:s5], s21  }
0x16: {  	_ =	swait.ge [sflag:s23], s21  }
0x17: {  	s4 =	ssub.s32 $0x0, s21;
	[sflag:s23] =	ssyncset.done $0x0  }
0x18: {  	[sflag:s23] =	ssyncadd.s32 s4;
	_ =	sdelay $0x1  }
0x19: {  	s24 =	simm.s32 $0x1B8B  }
0x1a: {  	_ =	swait.ge [sflag:s24], $0x1  }
0x1b: {  	[sflag:s24] =	ssyncset.done $0x0  }
0x1c: {  	s26 =	simm.s32 $0x1B8E;
	s25 =	sld [smem:$0x3FFE];
	[sflag:s24] =	ssyncadd.s32 $0xFFFFFFFF  }
0x1d: {  	s27 =	simm.s32 $execute0_lowered;
	[smem:$0x3FD2] =	sst s26  }
0x1e: {  	s5 =	sshll.u32 s27, $0x1;
	_ =	strace $0x80000049;
	[dreg:$0x1] =	wrdreg $0xFFFFFFFF  }
0x1f: {  	s28 =	simm.s32 $_size_execute0_lowered;
	s3 =	sadd.s32 s3, s5;
	[dreg:$0x0] =	wrdreg $0x0  }
0x20: {  	s5 =	sshll.u32 s28, $0x1;
	[dreg:$0x2] =	wrdreg s3  }
0x21: {  	[dreg:$0x3] =	wrdreg s5  }
0x22: {  	[dreg:$0x4] =	wrdreg $0xC0  }
0x23: {  	_ =	task [dreg:s7], $0x5FFFF  }
0x24: {  	[dreg:$0x1] =	wrdreg $0xFFFFFFFF  }
0x25: {  	[dreg:$0x0] =	wrdreg $0x60  }
0x26: {  	[dreg:$0x2] =	wrdreg s25  }
0x27: {  	[dreg:$0x3] =	wrdreg s2  }
0x28: {  	[dreg:$0x4] =	wrdreg $0x9  }
0x29: {  	_ =	task.clear_ibuf [dreg:s7], $0x5FFFF;
	_ =	strace $0x90000049  }
0x2a: {  	s29 =	simm.s32 $0x9;
	_ =	strace $0x8000004B  }
0x2b: {  	_ =	swait.ge [sflag:s29], $0x1  }
0x2c: {  	[sflag:s29] =	ssyncadd.s32 $0xFFFFFFFF  }
0x2d: {  	_ =	strace $0x9000004B  }
0x2e: {  	_ =	sfence  }
0x2f: {  	s30 =	sld [smem:$0x0];
	_ =	sdelay $0x2  }
0x30: {  	s31 =	sshll.u32 s1, $0xD;
	s1 =	sshrl.u32 s1, $0x2  }
0x31: {  	s3 =	sand.u32 $0x4000, s31;
	s1 =	sadd.s32 s1, s30  }
0x32: {  	s0 =	sor.u32 s3, s0;
	s1 =	sshll.u32 s1, $0x11  }
0x33: {  	s0 =	sor.u32 s1, s0  }
0x34: {  	s0 =	sadd.s32 $0x8F2B, s0  }
0x35: {  	[sflag:s0] =	ssyncadd.remote.s32 $0x1  }
0x36: {  	_ =	sfence.sel $0xFFFF  }
0x37: {  	[dreg:$0x0] =	wrdreg $0xFFFFFFFF;
	(pc) =	sbr.abs _section_cstart, $3  }
0x38: {  	[dreg:$0x1] =	wrdreg $0xFFFFFFFF  }
0x39: {  	_ =	task.clear_ibuf [dreg:s7], $0x2FFFF;
	_ =	strace $0x9FFFFFFF  }
0x3a: {  	(tm) =	ssettm $0x7FFFFFFF  }
0x3b: {  	_ =	shalt  }
tec
execute0_lowered:
.L_overlay_start_1:
0x0: {  	(tag) =	ssettag $0x1  }
0x1: {  	s0 =	rddreg [dreg:$0x0];
	s1 =	srdreg.scid  }
0x2: {  	_ =	strace $0x8000004A;
	s2 =	stileid.u32;
	s3 =	simm.s32 $0x1  }
0x3: {  	s31 =	simm.s32 $0x2;
	s17 =	simm.s32 $0x0;
	s19 =	simm.s32 $0x0  }
0x4: {  	s18 =	simm.s32 $0x0;
	s11 =	simm.s32 $0x0;
	s12 =	simm.s32 $0x0  }
0x5: {  	s14 =	simm.s32 $0x0;
	s13 =	simm.s32 $0x0;
	s9 =	simm.s32 $0x0  }
.Ltmp0:
0x6: {  	s1 =	sshll.u32 s1, $0x4;
	s7 =	sadd.s32 $0xA00, s0;
	(pc) =	sbr.rel .LBB1_1-.Ltmp0, $4  }
0x7: {  	s30 =	sshll.u32 s2, $0x7;
	[sflag:s3] =	ssyncpa.u1 $0x0;
	s1 =	sand.u32 $0x10, s1  }
0x8: {  	s10 =	sand.u32 $0x380, s30;
	[dreg:$0x3] =	wrdreg s7;
	s29 =	sor.u32 s2, s1  }
0x9: {  	[sflag:s31] =	ssyncpa.u1 $0x0;
	[dreg:$0x5] =	wrdreg s10;
	s8 =	sshrl.u32 s29, $0x3  }
0xa: {  	s16 =	smov.u32 s10;
	s15 =	smov.u32 s8;
	[dreg:$0x4] =	wrdreg s8  }
.LBB1_14:
0xb: {  	s11 =	rddreg [dreg:$0x6]  }
0xc: {  	s14 =	rddreg [dreg:$0x9]  }
0xd: {  	s3 =	rddreg [dreg:$0xf]  }
0xe: {  	s4 =	rddreg [dreg:$0x11]  }
0xf: {  	s23 =	rddreg [dreg:$0x10]  }
0x10: {  	s12 =	rddreg [dreg:$0x7]  }
0x11: {  	s26 =	rddreg [dreg:$0x1]  }
0x12: {  	s29 =	rddreg [dreg:$0x12]  }
0x13: {  	s7 =	rddreg [dreg:$0x3]  }
0x14: {  	s8 =	rddreg [dreg:$0x4]  }
0x15: {  	s10 =	rddreg [dreg:$0x5]  }
0x16: {  	s13 =	rddreg [dreg:$0x8]  }
0x17: {  	s15 =	rddreg [dreg:$0xa]  }
0x18: {  	s16 =	rddreg [dreg:$0xb]  }
0x19: {  	s17 =	rddreg [dreg:$0xc]  }
0x1a: {  	s18 =	rddreg [dreg:$0xd]  }
0x1b: {  	s31 =	simm.s32 $0x2000;
	s19 =	rddreg [dreg:$0xe]  }
0x1c: {  	s0 =	sshll.u32 s11, $0xA;
	s1 =	sshll.u32 s14, $0x3;
	p0 =	sgt.s32 s14, $0x380  }
0x1d: {  	s2 =	smov.u32 s14;
	s24 =	sshll.u32 s11, $0x7;
	s25 =	sand.u32 $0x78, s14  }
0x1e: {  	s5 =	smul.u32 $0x4800, s12;
	s27 =	sand.u32 $0x7, s14;
	s0 =	sand.u32 $0xFFFFE000, s0  }
0x1f: {  	s1 =	sand.u32 $0xFFFFFC00, s1;
	s2 =	simm.s32 @!p0 $0x380;
	p0 =	sgt.s32 s11, $0x10  }
0x20: {  	s0 =	sadd.s32 s1, s0;
	s1 =	smov.u32 s11;
	s2 =	sadd.s32 s3, s2  }
0x21: {  	s0 =	sshrl.u32 s0, $0xA;
	s1 =	simm.s32 @!p0 $0x10;
	s3 =	sadd.s32 $0xFFFFFC80, s2  }
0x22: {  	s2 =	ssub.s32 $0x400, s2;
	s1 =	sadd.s32 s4, s1;
	p0 =	sgt.s32 s3, $0x7F  }
0x23: {  	s22 =	smulhi.u32 $0x1C71C72, s0;
	s4 =	sadd.s32 $0xFFFFFFF0, s1;
	s2 =	simm.s32 @p0 $0x0  }
0x24: {  	s1 =	ssub.s32 $0x90, s1;
	p0 =	sgt.s32 s4, $0x7F;
	s2 =	smul.u32 s2, s23  }
0x25: {  	s3 =	smul.u32 $0x90, s22;
	s4 =	sand.u32 $0x380, s24;
	s1 =	simm.s32 @p0 $0x0  }
0x26: {  	s28 =	sshll.u32 s27, $0x12;
	s1 =	smul.u32 s1, s2;
	s2 =	sor.u32 s25, s4  }
0x27: {  	s0 =	ssub.s32 s0, s3;
	s3 =	sadd.s32 s26, s5;
	s2 =	sshrl.u32 s2, $0x3  }
0x28: {  	s30 =	sor.u32 $0x400, s28;
	s0 =	sshll.u32 s0, $0x7;
	s2 =	sadd.s32 s2, s3  }
0x29: {  	s4 =	sor.u32 $0x8000, s29;
	s1 =	sand.u32 $0x3FFFFFFF, s1;
	s0 =	sadd.s32 s0, s2  }
0x2a: {  	[hbm4b:s0+s30] =	stream.strided.scatter [tilespmem:s4], [sflag:$0x2], s1, s31, s30, $0x20;
	[tilespmem:$0x10100] =	vst v63  }
.LBB1_15:
0x2b: {  	p0 =	slt.u32 s9, $0x2  }
0x2c: {  	p1 =	sgt.s32 @!p0 s19, $0x5F  }
0x2d: {  	s0 =	smov.u32 s19;
	s1 =	sshra.s32 @!p0 s19, $0x1F;
	p1 =	por !p1, p0  }
0x2e: {  	s1 =	sand.u32 @!p0 s1, s19;
	s0 =	simm.s32 @p1 $0x5F  }
0x2f: {  	s3 =	smov.u32 s17;
	s0 =	ssub.s32 @!p0 s0, s1  }
0x30: {  	p2 =	sgt.s32 @!p0 s18, $0x380;
	s2 =	sshra.s32 @!p0 s18, $0x1F;
	s1 =	sadd.s32 @!p0 $0xFFFFFFA1, s0  }
0x31: {  	p2 =	por !p2, p0;
	p1 =	sgt.s32 @!p0 s1, $0x0;
	s1 =	smov.u32 s18  }
0x32: {  	s2 =	sand.u32 @!p0 s2, s18;
	s1 =	simm.s32 @p2 $0x380;
	p2 =	sgt.s32 @!p0 s17, $0x10  }
0x33: {  	s0 =	ssub.s32 @!p0 $0x60, s0;
	p1 =	por !p1, p0;
	p2 =	por !p2, p0  }
0x34: {  	s1 =	ssub.s32 @!p0 s1, s2;
	s2 =	sshra.s32 @!p0 s17, $0x1F;
	s0 =	simm.s32 @!p1 $0x0  }
0x35: {  	s3 =	simm.s32 @p2 $0x10;
	s2 =	sand.u32 @!p0 s2, s17;
	s4 =	sadd.s32 @!p0 $0xFFFFFC80, s1  }
0x36: {  	s1 =	ssub.s32 @!p0 $0x400, s1;
	s2 =	ssub.s32 @!p0 s3, s2;
	p1 =	sgt.s32 @!p0 s4, $0x7F  }
0x37: {  	s4 =	smov.u32 s15;
	s3 =	sadd.s32 @!p0 $0xFFFFFFF0, s2;
	p1 =	por !p1, p0  }
0x38: {  	s2 =	ssub.s32 @!p0 $0x90, s2;
	p2 =	sgt.s32 @!p0 s3, $0x7F;
	s1 =	simm.s32 @!p1 $0x0  }
0x39: {  	p1 =	por !p2, p0;
	s0 =	smul.u32 @!p0 s1, s0;
	s1 =	sadd.s32 $0x80, s13  }
0x3a: {  	s3 =	sadd.s32 $0x4, s15;
	s2 =	simm.s32 @!p1 $0x0;
	p1 =	sgt.s32 s1, $0x8F  }
0x3b: {  	s0 =	smul.u32 @!p0 s2, s0;
	s4 =	smov.u32 @p1 s3  }
0x3c: {  	s2 =	sadd.s32 $0x400, s16;
	s3 =	smov.u32 s16;
	p2 =	sgt.s32 s4, $0x5F  }
0x3d: {  	s9 =	sadd.s32 $0x1, s9;
	s3 =	smov.u32 @p2 s2  }
0x3e: {  	s19 =	smov.u32 s12;
	s1 =	simm.s32 @p1 $0x0;
	p1 =	sgt.s32 s3, $0x3E7  }
0x3f: {  	s12 =	smov.u32 s15;
	s3 =	smov.u32 @p1 s10;
	p1 =	sne.s32 s9, $0x32  }
.Ltmp1:
0x40: {  	s18 =	smov.u32 s14;
	s14 =	smov.u32 s16;
	(pc) =	sbr.rel @!p1 .LBB1_16-.Ltmp1, $4  }
0x41: {  	s17 =	smov.u32 s11;
	s0 =	sand.u32 @!p0 $0x3FFFFFFF, s0;
	s2 =	simm.s32 @!p0 $0x2  }
0x42: {  	s11 =	smov.u32 s13;
	s13 =	smov.u32 s1;
	_ =	swait.ge @!p0 [sflag:s2], s0  }
0x43: {  	s4 =	smov.u32 @p2 s8;
	s0 =	ssub.s32 @!p0 $0x0, s0;
	[sflag:s2] =	ssyncset.done @!p0 $0x0  }
0x44: {  	s15 =	smov.u32 s4;
	[sflag:s2] =	ssyncadd.s32 @!p0 s0;
	s16 =	smov.u32 s3  }
.LBB1_1:
0x45: {  	p0 =	sgt.u32 s9, $0x2F  }
0x46: {  	s2 =	smov.u32 s16;
	s0 =	sshll.u32 @!p0 s15, $0x8;
	s1 =	sshll.u32 @!p0 s13, $0x3  }
0x47: {  	p1 =	sgt.s32 @!p0 s16, $0x368;
	s3 =	sshra.s32 @!p0 s16, $0x1F;
	s4 =	sshll.u32 @!p0 s15, $0x7  }
0x48: {  	p2 =	sgt.s32 @!p0 s15, $0x5F;
	s5 =	sshra.s32 @!p0 s13, $0x1F;
	s0 =	sand.u32 @!p0 $0xFFFFF800, s0  }
0x49: {  	s1 =	sand.u32 @!p0 $0xFFFFFC00, s1;
	p1 =	por !p1, p0;
	s3 =	sand.u32 @!p0 s3, s16  }
0x4a: {  	p2 =	por !p2, p0;
	s5 =	sand.u32 @!p0 s5, s13;
	s2 =	simm.s32 @p1 $0x368  }
0x4b: {  	s0 =	sadd.s32 @!p0 s0, s1;
	s1 =	sand.u32 @!p0 $0x300, s4;
	s2 =	ssub.s32 @!p0 s2, s3  }
0x4c: {  	s0 =	sor.u32 @!p0 s1, s0;
	s3 =	sshra.s32 @!p0 s15, $0x1F;
	s1 =	sadd.s32 @!p0 $0xFFFFFC98, s2  }
0x4d: {  	p1 =	sgt.s32 @!p0 s1, $0x7F;
	s1 =	ssub.s32 @!p0 $0x3E8, s2;
	s2 =	smov.u32 s15  }
0x4e: {  	s3 =	sand.u32 @!p0 s3, s15;
	s2 =	simm.s32 @p2 $0x5F;
	p2 =	sgt.s32 @!p0 s13, $0x80  }
0x4f: {  	s2 =	ssub.s32 @!p0 s2, s3;
	p2 =	por !p2, p0;
	s3 =	smov.u32 s13  }
0x50: {  	p1 =	por !p1, p0;
	s6 =	sadd.s32 @!p0 $0xFFFFFFA1, s2;
	s3 =	simm.s32 @p2 $0x80  }
0x51: {  	s1 =	simm.s32 @!p1 $0x0;
	p2 =	sgt.s32 @!p0 s6, $0x0;
	s3 =	ssub.s32 @!p0 s3, s5  }
0x52: {  	s2 =	ssub.s32 @!p0 $0x60, s2;
	p1 =	por !p2, p0;
	s5 =	sadd.s32 @!p0 $0xFFFFFF80, s3  }
0x53: {  	s0 =	sshrl.u32 @!p0 s0, $0x8;
	s2 =	simm.s32 @!p1 $0x0;
	p1 =	sgt.s32 @!p0 s5, $0x7F  }
0x54: {  	s1 =	smul.u32 @!p0 s1, s2;
	s2 =	ssub.s32 @!p0 $0x100, s3;
	p1 =	por !p1, p0  }
0x55: {  	s3 =	smulhi.u32 @!p0 $0x2AAAAAB, s0;
	s2 =	simm.s32 @!p1 $0x0  }
0x56: {  	s4 =	sand.u32 @!p0 $0x80, s4;
	s1 =	smul.u32 @!p0 s2, s1  }
0x57: {  	s5 =	sxor.u32 @!p0 $0xFFFFFFFF, s9;
	s2 =	sand.u32 @!p0 $0x78, s13;
	s3 =	smul.u32 @!p0 $0x60, s3  }
0x58: {  	s5 =	sshll.u32 @!p0 s5, $0xE;
	s2 =	sor.u32 @!p0 s2, s4;
	s4 =	smul.u32 @!p0 $0xC00, s16  }
0x59: {  	s5 =	sand.u32 @!p0 $0x4000, s5;
	s0 =	ssub.s32 @!p0 s0, s3;
	s1 =	sand.u32 @!p0 $0x3FFFFFFF, s1  }
0x5a: {  	s2 =	sshrl.u32 @!p0 s2, $0x3;
	s3 =	sadd.s32 @!p0 s7, s4;
	s4 =	sand.u32 @!p0 $0x7, s13  }
0x5b: {  	s0 =	sshll.u32 @!p0 s0, $0x5;
	s2 =	sadd.s32 @!p0 s2, s3;
	s3 =	sshll.u32 @!p0 s4, $0x12  }
0x5c: {  	s0 =	sadd.s32 @!p0 s0, s2;
	s2 =	sor.u32 @!p0 $0x80, s3;
	s3 =	simm.s32 @!p0 $0x6000  }
0x5d: {  	[tilespmem:s5], [sflag:$0x1] =	stream.strided.gather @!p0 [hbm4b:s0+s2], s1, s3, s2, $0x38;
	[tilespmem:$0x10100] =	vst v63  }
0x5e: {  	p0 =	seq.s32 s9, $0x0  }
0x5f: {  	p1 =	seq.s32 @!p0 s9, $0x31  }
0x60: {  	p0 =	por p0, p1  }
.Ltmp2:
0x61: {  	_ = 	snop;
	(pc) =	sbr.rel @p0 .LBB1_15-.Ltmp2, $1  }
0x62: {  	_ =	sdelay $0x3  }
0x63: {  	[dreg:$0xe] =	wrdreg s19  }
0x64: {  	[dreg:$0xd] =	wrdreg s18  }
0x65: {  	[dreg:$0xc] =	wrdreg s17;
	s0 =	ssub.s32 $0x0, s14;
	s1 =	sshra.s32 s14, $0x1F  }
0x66: {  	p0 =	sgt.s32 s14, $0x368;
	s2 =	smov.u32 s14;
	s27 =	sshra.s32 s12, $0x1F  }
0x67: {  	p1 =	sgt.s32 s11, $0x80;
	s4 =	ssub.s32 $0x0, s11;
	s5 =	sshra.s32 s11, $0x1F  }
0x68: {  	s0 =	sand.u32 s0, s1;
	s2 =	simm.s32 @!p0 $0x368;
	p0 =	sgt.s32 s12, $0x5F  }
0x69: {  	s1 =	smov.u32 s12;
	s28 =	sand.u32 s4, s5;
	[dreg:$0xf] =	wrdreg s0  }
0x6a: {  	s0 =	sadd.s32 s0, s2;
	s1 =	simm.s32 @!p0 $0x5F;
	s2 =	sand.u32 s27, s12  }
0x6b: {  	s3 =	sadd.s32 $0xFFFFFC98, s0;
	s1 =	ssub.s32 s1, s2;
	s0 =	ssub.s32 $0x3E8, s0  }
0x6c: {  	p0 =	sgt.s32 s3, $0x7F;
	s2 =	sadd.s32 $0xFFFFFFA1, s1;
	s3 =	smov.u32 s11  }
0x6d: {  	s3 =	simm.s32 @!p1 $0x80;
	p1 =	sgt.s32 s2, $0x0;
	s2 =	ssub.s32 $0x60, s1  }
0x6e: {  	s0 =	simm.s32 @p0 $0x0;
	s2 =	simm.s32 @p1 $0x0;
	s1 =	sadd.s32 s28, s3  }
0x6f: {  	[dreg:$0x10] =	wrdreg s2;
	s0 =	smul.u32 s0, s2;
	s29 =	sadd.s32 $0xFFFFFF80, s1  }
0x70: {  	s1 =	ssub.s32 $0x100, s1;
	s2 =	sadd.s32 $0x80, s14;
	p0 =	sgt.s32 s29, $0x7F  }
0x71: {  	s3 =	sadd.s32 $0x1, s12;
	s1 =	simm.s32 @p0 $0x0;
	p0 =	slt.s32 s2, $0x3E8  }
0x72: {  	[dreg:$0xb] =	wrdreg s16;
	s2 =	simm.s32 @!p0 $0x3E8;
	p0 =	slt.s32 s3, $0x60  }
0x73: {  	[dreg:$0xa] =	wrdreg s15;
	s22 =	ssub.s32 s2, s14;
	s3 =	simm.s32 @!p0 $0x60  }
0x74: {  	[dreg:$0x8] =	wrdreg s13;
	s23 =	ssub.s32 s3, s12;
	p0 =	slt.s32 s22, $0x1  }
0x75: {  	[dreg:$0x6] =	wrdreg s11;
	p1 =	slt.s32 @!p0 s23, $0x1  }
0x76: {  	[dreg:$0x9] =	wrdreg s14;
	s0 =	smul.u32 s1, s0;
	p1 =	por p0, p1  }
.Ltmp3:
0x77: {  	[dreg:$0x7] =	wrdreg s12;
	s30 =	simm.s32 $0x1;
	(pc) =	sbr.rel @p1 .LBB1_14-.Ltmp3, $4  }
0x78: {  	[dreg:$0x11] =	wrdreg s28;
	s1 =	sand.u32 $0x3FFFFFFF, s0;
	s0 =	sand.u32 $0x1, s9  }
0x79: {  	_ =	swait.ge [sflag:s30], s1;
	s31 =	smul.u32 $0x4080, s0  }
0x7a: {  	s1 =	ssub.s32 $0x0, s1;
	[sflag:s30] =	ssyncset.done $0x0  }
0x7b: {  	[sflag:s30] =	ssyncadd.s32 s1;
	[dreg:$0x12] =	wrdreg s31  }
0x7c: {  	s2 =	rddreg [dreg:$0x6]  }
0x7d: {  	s1 =	sadd.s32 $0x80, s2  }
0x7e: {  	p1 =	slt.s32 s1, $0x90  }
.Ltmp4:
0x7f: {  	s1 =	simm.s32 @!p1 $0x90;
	(pc) =	sbr.rel .LBB1_4-.Ltmp4, $4  }
0x80: {  	s1 =	ssub.s32 s1, s2  }
0x81: {  	s26 =	sshll.u32 @!p0 s0, $0xE;
	s0 =	rddreg [dreg:$0x12];
	s1 =	sadd.s32 $0xF, s1  }
0x82: {  	s28 =	simm.s32 $0x0;
	s24 =	sand.u32 $0xFFFFFFF0, s1;
	s25 =	sand.u32 @!p0 $0xFFFFFF00, s1  }
0x83: {  	s27 =	sor.u32 @!p0 $0x8000, s0;
	p0 =	slt.s32 s1, $0x100;
	p1 =	sge.s32 s25, s24  }
.LBB1_13:
0x84: {  	s28 =	sadd.s32 $0x1, s28  }
0x85: {  	p2 =	sne.s32 s28, s22  }
.Ltmp5:
0x86: {  	_ = 	snop;
	(pc) =	sbr.rel @!p2 .LBB1_14-.Ltmp5, $1  }
0x87: {  	_ =	sdelay $0x3  }
.LBB1_4:
0x88: {  	s29 =	sshrl.u32 s28, $0x4;
	s0 =	sshll.u32 s28, $0x3;
	s1 =	sshll.u32 s28, $0x9  }
0x89: {  	s2 =	sand.u32 $0x78, s29;
	s3 =	sadd.s32 $0x800, s0;
	s5 =	sadd.s32 $0x1000, s0  }
0x8a: {  	s6 =	sadd.s32 $0x1800, s0;
	s7 =	sadd.s32 $0x2800, s0;
	s20 =	sadd.s32 $0x3000, s0  }
0x8b: {  	s4 =	smul.u32 $0x204, s2;
	s3 =	sshrl.u32 s3, $0x7;
	s2 =	sxor.u32 $0x40, s2  }
0x8c: {  	s5 =	sshrl.u32 s5, $0x7;
	s3 =	sand.u32 $0x78, s3;
	s8 =	smul.u32 $0x204, s2  }
0x8d: {  	s6 =	sshrl.u32 s6, $0x7;
	s5 =	sand.u32 $0x78, s5;
	s3 =	smul.u32 $0x204, s3  }
0x8e: {  	s19 =	sshrl.u32 s7, $0x7;
	s6 =	sand.u32 $0x78, s6;
	s5 =	smul.u32 $0x204, s5  }
0x8f: {  	s7 =	sshrl.u32 s20, $0x7;
	s2 =	sand.u32 $0x78, s19;
	s6 =	smul.u32 $0x204, s6  }
0x90: {  	s0 =	sadd.s32 $0x3800, s0;
	s21 =	sand.u32 $0x78, s7;
	s10 =	smul.u32 $0x204, s2  }
0x91: {  	s30 =	sand.u32 $0x7F, s28;
	s0 =	sshrl.u32 s0, $0x7;
	s11 =	smul.u32 $0x204, s21  }
.Ltmp6:
0x92: {  	s1 =	sshra.s32 s1, $0x2;
	s0 =	sand.u32 $0x78, s0;
	(pc) =	sbr.rel .LBB1_5-.Ltmp6, $4  }
0x93: {  	s18 =	simm.s32 $0x0;
	s31 =	sadd.s32 s1, s26;
	s12 =	smul.u32 $0x204, s0  }
0x94: {  	s0 =	sadd.s32 s30, s27;
	s1 =	sshrl.u32 s4, $0x2;
	s2 =	sshrl.u32 s3, $0x2  }
0x95: {  	s7 =	sshrl.u32 s5, $0x2;
	s4 =	sshrl.u32 s6, $0x2;
	s3 =	sshrl.u32 s8, $0x2  }
0x96: {  	s5 =	sshrl.u32 s10, $0x2;
	s6 =	sshrl.u32 s11, $0x2;
	s21 =	sshrl.u32 s12, $0x2  }
.LBB1_12:
0x97: {  	s18 =	sadd.s32 $0x1, s18  }
0x98: {  	p2 =	sne.s32 s18, s23  }
.Ltmp7:
0x99: {  	_ = 	snop;
	(pc) =	sbr.rel @!p2 .LBB1_13-.Ltmp7, $1  }
0x9a: {  	_ =	sdelay $0x3  }
.LBB1_5:
.Ltmp8:
0x9b: {  	(pc) =	sbr.rel @p0 .LBB1_9-.Ltmp8, $2  }
0x9c: {  	_ =	sdelay $0x2  }
0x9d: {  	s20 =	smul.u32 $0x10200, s18  }
0x9e: {  	s10 =	sshll.u32 s18, $0x7  }
0x9f: {  	s8 =	sshra.s32 s20, $0x2;
	s14 =	sand.u32 $0x380, s10  }
0xa0: {  	s11 =	sadd.s32 s8, s27;
	s19 =	sadd.s32 s14, s31  }
0xa1: {  	s15 =	sadd.s32 s1, s11;
	s12 =	sadd.s32 s2, s11;
	v0 =	vld [tilespmem:s19+$0x70]  }
0xa2: {  	s16 =	sadd.s32 s7, s11;
	s17 =	sadd.s32 s4, s11;
	s13 =	sadd.s32 s3, s11;
	v3 =	vld [tilespmem:s19+$0x60]  }
0xa3: {  	s14 =	sadd.s32 s6, s11;
	v1 =	vld [tilespmem:s19+$0x50];
	s8 =	sadd.s32 s30, s16;
	s16 =	sadd.s32 s30, s17  }
0xa4: {  	v2 =	vld [tilespmem:s19+$0x40];
	s17 =	sadd.s32 s30, s13;
	s13 =	sadd.s32 s5, s11;
	s11 =	sadd.s32 s21, s11  }
0xa5: {  	v4 =	vld [tilespmem:s19+$0x30];
	s11 =	sadd.s32 s30, s11  }
0xa6: {  	v5 =	vld [tilespmem:s19+$0x20];
	s14 =	sadd.s32 s30, s14;
	[tilespmem:s11+$0x0 ss:$0x81] =	vst.msk $0xffff, v0  }
0xa7: {  	v6 =	vld [tilespmem:s19+$0x10];
	s10 =	sadd.s32 s30, s12;
	s12 =	sadd.s32 s30, s13;
	[tilespmem:s14+$0x0 ss:$0x81] =	vst.msk $0xffff, v3  }
0xa8: {  	v7 =	vld [tilespmem:s19+$0x0];
	[tilespmem:s12+$0x0 ss:$0x81] =	vst.msk $0xffff, v1  }
0xa9: {  	[tilespmem:s17+$0x0 ss:$0x81] =	vst.msk $0xffff, v2  }
0xaa: {  	[tilespmem:s16+$0x0 ss:$0x81] =	vst.msk $0xffff, v4  }
0xab: {  	p2 =	sgt.s32 s25, $0x100;
	[tilespmem:s8+$0x0 ss:$0x81] =	vst.msk $0xffff, v5  }
.Ltmp9:
0xac: {  	s15 =	sadd.s32 s30, s15;
	[tilespmem:s10+$0x0 ss:$0x81] =	vst.msk $0xffff, v6;
	(pc) =	sbr.rel @!p2 .LBB1_8-.Ltmp9, $4  }
0xad: {  	[tilespmem:s15+$0x0 ss:$0x81] =	vst.msk $0xffff, v7  }
0xae: {  	[tilespmem:s15+$0x0 ss:$0x81] =	vst.msk $0xffff, v7  }
0xaf: {  	[tilespmem:s10+$0x0 ss:$0x81] =	vst.msk $0xffff, v6  }
0xb0: {  	s13 =	simm.s32 $0x100;
	[tilespmem:s8+$0x0 ss:$0x81] =	vst.msk $0xffff, v5  }
.LBB1_7:
0xb1: {  	v5 =	vld [tilespmem:s19+$0x70];
	[tilespmem:s16+$0x0 ss:$0x81] =	vst.msk $0xffff, v4  }
0xb2: {  	v6 =	vld [tilespmem:s19+$0x60];
	[tilespmem:s17+$0x0 ss:$0x81] =	vst.msk $0xffff, v2  }
0xb3: {  	[tilespmem:s12+$0x0 ss:$0x81] =	vst.msk $0xffff, v1;
	v1 =	vld [tilespmem:s19+$0x50]  }
0xb4: {  	v2 =	vld [tilespmem:s19+$0x40];
	[tilespmem:s14+$0x0 ss:$0x81] =	vst.msk $0xffff, v3  }
0xb5: {  	v4 =	vld [tilespmem:s19+$0x30];
	[tilespmem:s11+$0x0 ss:$0x81] =	vst.msk $0xffff, v0  }
0xb6: {  	v7 =	vld [tilespmem:s19+$0x20];
	[tilespmem:s11+$0x0 ss:$0x81] =	vst.msk $0xffff, v5;
	v0 =	vmov v5  }
0xb7: {  	v5 =	vld [tilespmem:s19+$0x10];
	[tilespmem:s14+$0x0 ss:$0x81] =	vst.msk $0xffff, v6;
	v3 =	vmov v6  }
0xb8: {  	s13 =	sadd.s32 $0x100, s13;
	v6 =	vld [tilespmem:s19+$0x0];
	[tilespmem:s12+$0x0 ss:$0x81] =	vst.msk $0xffff, v1  }
0xb9: {  	p2 =	slt.s32 s13, s25;
	[tilespmem:s17+$0x0 ss:$0x81] =	vst.msk $0xffff, v2  }
0xba: {  	[tilespmem:s16+$0x0 ss:$0x81] =	vst.msk $0xffff, v4  }
0xbb: {  	[tilespmem:s8+$0x0 ss:$0x81] =	vst.msk $0xffff, v7  }
.Ltmp10:
0xbc: {  	[tilespmem:s10+$0x0 ss:$0x81] =	vst.msk $0xffff, v5;
	(pc) =	sbr.rel @p2 .LBB1_7-.Ltmp10, $4  }
0xbd: {  	[tilespmem:s15+$0x0 ss:$0x81] =	vst.msk $0xffff, v6  }
0xbe: {  	[tilespmem:s15+$0x0 ss:$0x81] =	vst.msk $0xffff, v6  }
0xbf: {  	[tilespmem:s10+$0x0 ss:$0x81] =	vst.msk $0xffff, v5  }
0xc0: {  	[tilespmem:s8+$0x0 ss:$0x81] =	vst.msk $0xffff, v7  }
.LBB1_8:
0xc1: {  	[tilespmem:s16+$0x0 ss:$0x81] =	vst.msk $0xffff, v4  }
0xc2: {  	[tilespmem:s17+$0x0 ss:$0x81] =	vst.msk $0xffff, v2  }
0xc3: {  	[tilespmem:s12+$0x0 ss:$0x81] =	vst.msk $0xffff, v1  }
0xc4: {  	[tilespmem:s14+$0x0 ss:$0x81] =	vst.msk $0xffff, v3  }
0xc5: {  	[tilespmem:s11+$0x0 ss:$0x81] =	vst.msk $0xffff, v0  }
.LBB1_9:
.Ltmp11:
0xc6: {  	(pc) =	sbr.rel @p1 .LBB1_12-.Ltmp11, $1  }
0xc7: {  	_ =	sdelay $0x3  }
0xc8: {  	s8 =	sand.u32 $0x7, s18  }
0xc9: {  	s8 =	sadd.s32 s28, s8  }
0xca: {  	s8 =	sshll.u32 s8, $0x9  }
0xcb: {  	s8 =	sshra.s32 s8, $0x2  }
0xcc: {  	s10 =	sadd.s32 s8, s26  }
0xcd: {  	v0 =	vmov s10  }
0xce: {  	s20 =	sshra.s32 s20, $0x2  }
0xcf: {  	s8 =	sadd.s32 s20, s0;
	s10 =	smov.u32 s25  }
.LBB1_11:
0xd0: {  	s12 =	sadd.s32 s10, s29  }
0xd1: {  	s11 =	sand.u32 $0x70, s10;
	s10 =	sadd.s32 $0x10, s10;
	s20 =	sand.u32 $0x78, s12  }
0xd2: {  	v1 =	vld.idx.msk [tilespmem:v0+s11+$0x0 ss:$0x1], $0xffff;
	p2 =	slt.s32 s10, s24;
	s11 =	smul.u32 $0x204, s20  }
.Ltmp12:
0xd3: {  	_ = 	snop;
	(pc) =	sbr.rel @p2 .LBB1_11-.Ltmp12, $4  }
0xd4: {  	_ = 	snop  }
0xd5: {  	s11 =	sshrl.u32 s11, $0x2  }
0xd6: {  	s11 =	sadd.s32 s11, s8  }
0xd7: {  	[tilespmem:s11+$0x0 ss:$0x81] =	vst.msk $0xffff, v1  }
.Ltmp13:
0xd8: {  	_ = 	snop;
	(pc) =	sbr.rel .LBB1_12-.Ltmp13, $1  }
0xd9: {  	_ =	sdelay $0x3  }
.LBB1_16:
0xda: {  	_ =	sfence.sel $0x180000  }
0xdb: {  	s0 =	simm.s32 $0x1;
	[bflag:$0x0] =	sbarrier.arrive $0xFFFF  }
0xdc: {  	s30 =	simm.s32 $0x2;
	[sflag:s0] =	ssyncpa.u1 $0x1  }
0xdd: {  	[sflag:s30] =	ssyncpa.u1 $0x1  }
0xde: {  	_ =	strace $0x9000004A  }
0xdf: {  	s31 =	stileid.u32;
	[bflag:$0x2] =	sbarrier.arrive $0xFFFF  }
0xe0: {  	p0 =	sne.s32 s31, $0x0;
	s0 =	rddreg [dreg:$0x2]  }
0xe1: {  	s0 =	sadd.s32 @!p0 $0x100000, s0  }
0xe2: {  	[sflag:s0] =	ssyncadd.tile.s32 @!p0 $0x1;
	_ =	shalt  }
.Lfunc_end1:
_tile_overlayer_lowered:
.L_overlay_start_2:
0xe3: {  	(tag) =	ssettag $0x2  }
0xe4: {  	s0 =	rddreg [dreg:$0x0];
	s2 =	stileid.u32  }
0xe5: {  	s1 =	rddreg [dreg:$0x1];
	p0 =	sne.s32 s2, $0x0  }
0xe6: {  	s3 =	rddreg [dreg:$0x2];
	[bflag:$0x3] =	sbarrier.arrive $0xFFFF;
	s2 =	simm.s32 @!p0 $0x1C01  }
0xe7: {  	[timem:s3], [sflag:s2] =	dma.local @!p0 [hbm:s0], s1  }
0xe8: {  	s0 =	simm.s32 @!p0 $0x1  }
0xe9: {  	_ =	swait.ge @!p0 [sflag:s0], s1  }
0xea: {  	s1 =	ssub.s32 @!p0 $0x0, s1;
	[sflag:s0] =	ssyncset.done @!p0 $0x0  }
0xeb: {  	[sflag:s0] =	ssyncadd.s32 @!p0 s1  }
0xec: {  	[bflag:$0x3] =	sbarrier.arrive $0xFFFF  }
0xed: {  	_ =	shalt  }

</sc_bundles>
